<compile_context>
chip_gen: v7x
topology: tpu7x:2x2x1
jax: 0.10.2.dev20260603
libtpu: 0.0.44.dev20260713+nightly
codegen_flags: <defaults>
</compile_context>

<pallas_src>
import functools

import jax
import jax.numpy as jnp
from jax import lax
from jax.experimental import pallas as pl
from jax.experimental.pallas import tpu as pltpu
from jax.experimental.pallas import tpu_sc as plsc

NUM_USERS = 1000000
NUM_MOVIES = 100000
EMB = 32
B = 16384
LINE = 128
RPL = LINE // EMB

NC, NS = 2, 16
NW = NC * NS
BPW = B // NW
CHUNK = 128
NCHUNK = BPW // CHUNK
NBUF = 3

BB = 2048


TQ = 32768
GRP = TQ // RPL


def _tr_body(x_ref, o_ref):
    eye = jnp.eye(EMB, dtype=jnp.float32)
    acc = None
    for j in range(RPL):
        ej = jnp.pad(eye, ((0, 0), (j * EMB, LINE - (j + 1) * EMB)))
        d = lax.dot_general(x_ref[:, j * GRP:(j + 1) * GRP], ej,
                            (((0,), (0,)), ((), ())),
                            preferred_element_type=jnp.float32)
        acc = d if acc is None else acc + d
    o_ref[...] = acc


@functools.cache
def _tr(v):
    nb = pl.cdiv(v, TQ)
    return pl.pallas_call(
        _tr_body,
        grid=(nb,),
        in_specs=[pl.BlockSpec((EMB, TQ), lambda i: (0, i))],
        out_specs=pl.BlockSpec((GRP, LINE), lambda i: (i, 0)),
        out_shape=jax.ShapeDtypeStruct((nb * GRP, LINE), jnp.float32),
        compiler_params=pltpu.CompilerParams(
            fuse_transposed_lhs_in_matmul=True),
    )


def _sc_gather_body(uidx_hbm, midx_hbm, ut4, mt4, u4_out, m4_out,
                    uidx_v, midx_v, ub, mb, sg, sw):
    wid = lax.axis_index("s") * NC + lax.axis_index("c")
    pltpu.sync_copy(uidx_hbm.at[pl.ds(wid * NCHUNK, NCHUNK)], uidx_v)
    pltpu.sync_copy(midx_hbm.at[pl.ds(wid * NCHUNK, NCHUNK)], midx_v)
    base = wid * BPW

    def fire_gather(j, k):
        return (pltpu.async_copy(ut4.at[uidx_v.at[j]], ub.at[k], sg[k]),
                pltpu.async_copy(mt4.at[midx_v.at[j]], mb.at[k], sg[k]))

    def fire_wb(j, k):
        dst = pl.ds(base + j * CHUNK, CHUNK)
        return (pltpu.async_copy(ub.at[k], u4_out.at[dst], sw[k]),
                pltpu.async_copy(mb.at[k], m4_out.at[dst], sw[k]))

    g = [None] * NCHUNK
    w = [None] * NCHUNK
    for j in range(NBUF):
        g[j] = fire_gather(j, j)
    g[0][0].wait()
    g[0][1].wait()
    w[0] = fire_wb(0, 0)
    w[0][0].wait()
    w[0][1].wait()
    g[3] = fire_gather(3, 0)
    for j in range(1, NCHUNK):
        g[j][0].wait()
        g[j][1].wait()
        w[j] = fire_wb(j, j % NBUF)
    for j in range(1, NCHUNK):
        w[j][0].wait()
        w[j][1].wait()


@functools.cache
def _sc_gather():
    return pl.kernel(
        _sc_gather_body,
        out_type=(jax.ShapeDtypeStruct((B, LINE), jnp.float32),
                  jax.ShapeDtypeStruct((B, LINE), jnp.float32)),
        mesh=plsc.VectorSubcoreMesh(core_axis_name="c", subcore_axis_name="s"),
        scratch_types=(
            pltpu.VMEM((NCHUNK, CHUNK), jnp.int32),
            pltpu.VMEM((NCHUNK, CHUNK), jnp.int32),
            pltpu.VMEM((NBUF, CHUNK, LINE), jnp.float32),
            pltpu.VMEM((NBUF, CHUNK, LINE), jnp.float32),
            [pltpu.SemaphoreType.DMA] * NBUF,
            [pltpu.SemaphoreType.DMA] * NBUF,
        ),
        compiler_params=pltpu.CompilerParams(use_tc_tiling_on_sc=True),
    )


def _select_group(x4, q):
    return jnp.where(q < 2,
                     jnp.where(q == 0, x4[:, 0:EMB], x4[:, EMB:2 * EMB]),
                     jnp.where(q == 2, x4[:, 2 * EMB:3 * EMB], x4[:, 3 * EMB:]))


def _mlp_body(u4_ref, m4_ref, qs_ref, fs_ref,
              w1u_ref, w1m_ref, w1r_ref, b1_ref, w2_ref, b2_ref,
              w3_ref, b3_ref, out_ref):
    f32 = jnp.float32
    u = _select_group(u4_ref[...], qs_ref[:, 0:1])
    m = _select_group(m4_ref[...], qs_ref[:, 1:2])
    h1 = jnp.dot(u, w1u_ref[...], preferred_element_type=f32)
    h1 += jnp.dot(m, w1m_ref[...], preferred_element_type=f32)
    h1 += jnp.dot(fs_ref[...], w1r_ref[...], preferred_element_type=f32)
    h1 = jnp.maximum(h1 + b1_ref[...], 0.0)
    h2 = jnp.maximum(
        jnp.dot(h1, w2_ref[...], preferred_element_type=f32) + b2_ref[...],
        0.0)
    out_ref[...] = (jnp.sum(h2 * w3_ref[...], axis=1, keepdims=True)
                    + b3_ref[...])


def _full(shape):
    return pl.BlockSpec(shape, lambda i: (0, 0))


def _batch(cols):
    return pl.BlockSpec((BB, cols), lambda i: (i, 0))


_mlp = pl.pallas_call(
    _mlp_body,
    grid=(B // BB,),
    in_specs=[
        _batch(LINE), _batch(LINE), _batch(2), _batch(27),
        _full((EMB, 64)), _full((EMB, 64)), _full((27, 64)), _full((1, 64)),
        _full((64, 32)), _full((1, 32)), _full((1, 32)), _full((1, 1)),
    ],
    out_specs=pl.BlockSpec((BB, 1), lambda i: (i, 0)),
    out_shape=jax.ShapeDtypeStruct((B, 1), jnp.float32),
)


def kernel(user, movie, genres, lang, vote_count, vote_avg,
           user_table, movie_table, W1, b1, W2, b2, W3, b3):
    user = user.astype(jnp.int32)
    movie = movie.astype(jnp.int32)
    uline = (user // TQ) * GRP + user % GRP
    mline = (movie // TQ) * GRP + movie % GRP
    uidx4 = uline.reshape(B // CHUNK, CHUNK)
    midx4 = mline.reshape(B // CHUNK, CHUNK)
    ut4 = _tr(NUM_USERS)(user_table.T)
    mt4 = _tr(NUM_MOVIES)(movie_table.T)
    u4, m4 = _sc_gather()(uidx4, midx4, ut4, mt4)
    qs = jnp.stack([user % TQ // GRP, movie % TQ // GRP], axis=1)
    fs = jnp.concatenate([genres, lang, vote_count, vote_avg], axis=1)
    return _mlp(u4, m4, qs, fs,
                W1[:EMB], W1[EMB:2 * EMB], W1[2 * EMB:],
                b1.reshape(1, 64), W2, b2.reshape(1, 32),
                W3.reshape(1, 32), b3.reshape(1, 1))

# --- scband reference (transcript-rebuilt; emitter-appended) ---
"""Pipeline reference for scband-rec-sys-model-42322607734958 (READ-ONLY COPY).

The authoritative reference and input builder live on the scoring server;
editing this copy changes nothing except your own understanding.
"""

import jax, jax.numpy as jnp
import numpy as np

NUM_USERS = 1000000
NUM_MOVIES = 100000
EMB = 32
B = 16384


def setup_inputs(seed: int = 0) -> dict:
    key = jax.random.key(seed)
    ks = jax.random.split(key, 14)
    user = jax.random.randint(ks[0], (B,), 0, NUM_USERS, dtype=jnp.int64 if jax.config.jax_enable_x64 else jnp.int32)
    movie = jax.random.randint(ks[1], (B,), 0, NUM_MOVIES, dtype=jnp.int64 if jax.config.jax_enable_x64 else jnp.int32)
    genres = jax.random.uniform(ks[2], (B, 20), dtype=jnp.float32)
    lang = jax.random.uniform(ks[3], (B, 5), dtype=jnp.float32)
    vote_count = jax.random.normal(ks[4], (B, 1), dtype=jnp.float32)
    vote_avg = jax.random.normal(ks[5], (B, 1), dtype=jnp.float32)
    user_table = jax.random.normal(ks[6], (NUM_USERS, EMB), dtype=jnp.float32) * 0.02
    movie_table = jax.random.normal(ks[7], (NUM_MOVIES, EMB), dtype=jnp.float32) * 0.02
    W1 = jax.random.normal(ks[8], (91, 64), dtype=jnp.float32) * (1.0 / np.sqrt(91))
    b1 = jnp.zeros((64,), dtype=jnp.float32)
    W2 = jax.random.normal(ks[9], (64, 32), dtype=jnp.float32) * (1.0 / np.sqrt(64))
    b2 = jnp.zeros((32,), dtype=jnp.float32)
    W3 = jax.random.normal(ks[10], (32, 1), dtype=jnp.float32) * (1.0 / np.sqrt(32))
    b3 = jnp.zeros((1,), dtype=jnp.float32)
    return {
        "user": user, "movie": movie, "genres": genres, "lang": lang,
        "vote_count": vote_count, "vote_avg": vote_avg,
        "user_table": user_table, "movie_table": movie_table,
        "W1": W1, "b1": b1, "W2": W2, "b2": b2, "W3": W3, "b3": b3,
    }


def reference(user, movie, genres, lang, vote_count, vote_avg,
              user_table, movie_table, W1, b1, W2, b2, W3, b3):
    u = jnp.take(user_table, user, axis=0)
    m = jnp.take(movie_table, movie, axis=0)
    features = jnp.concatenate([u, m, genres, lang, vote_count, vote_avg], axis=1)
    h = jax.nn.relu(features @ W1 + b1)
    h = jax.nn.relu(h @ W2 + b2)
    out = h @ W3 + b3
    return out

if __name__ == "__main__":
    import jax
    _d = setup_inputs()
    print(jax.jit(kernel)(*tuple(_d.values())))

</pallas_src>

<mosaic_0001>
#map = affine_map<(d0, d1) -> (0, 0)>
module attributes {stable_mosaic.version = 14 : i64} {
  func.func @_sc_gather_body(%arg0: i32, %arg1: i32, %arg2: memref<128x128xi32, #tpu.memory_space<hbm>>, %arg3: memref<128x128xi32, #tpu.memory_space<hbm>>, %arg4: memref<253952x128xf32, #tpu.memory_space<hbm>>, %arg5: memref<32768x128xf32, #tpu.memory_space<hbm>>, %arg6: memref<16384x128xf32, #tpu.memory_space<hbm>>, %arg7: memref<16384x128xf32, #tpu.memory_space<hbm>>, %arg8: memref<4x128xi32, #tpu.memory_space<vmem>>, %arg9: memref<4x128xi32, #tpu.memory_space<vmem>>, %arg10: memref<3x128x128xf32, #tpu.memory_space<vmem>>, %arg11: memref<3x128x128xf32, #tpu.memory_space<vmem>>, %arg12: memref<!tpu.dma_semaphore, #tpu.memory_space<semaphore_mem>>, %arg13: memref<!tpu.dma_semaphore, #tpu.memory_space<semaphore_mem>>, %arg14: memref<!tpu.dma_semaphore, #tpu.memory_space<semaphore_mem>>, %arg15: memref<!tpu.dma_semaphore, #tpu.memory_space<semaphore_mem>>, %arg16: memref<!tpu.dma_semaphore, #tpu.memory_space<semaphore_mem>>, %arg17: memref<!tpu.dma_semaphore, #tpu.memory_space<semaphore_mem>>) attributes {dimension_semantics = [#tpu.dimension_semantics<core_parallel>, #tpu.dimension_semantics<subcore_parallel>], iteration_bounds = array<i64: 2, 16>, scalar_prefetch = 0 : i64, scratch_operands = 10 : i64, tpu.core_type = #tpu.core_type<sc_vector_subcore>, window_params = [{transform_indices = #map}, {transform_indices = #map}, {transform_indices = #map}, {transform_indices = #map}, {transform_indices = #map}, {transform_indices = #map}]} {
    %mul3A = arith.constant 2 : i32
    %mul3A_0 = arith.muli %arg1, %mul3A : i32
    %add3A = arith.addi %mul3A_0, %arg0 : i32
    %mul3A_1 = arith.constant 4 : i32
    %mul3A_2 = arith.muli %add3A, %mul3A_1 : i32
    "tpu.region"() ({
      %run_scoped3A = tpu.sem_alloc : memref<!tpu.dma_semaphore, #tpu.memory_space<semaphore_mem>>
      %dma_start3A_413 = arith.constant 0 : i32
      %dma_start3A_414 = tpu.memref_slice %arg2[%mul3A_2, %dma_start3A_413] : memref<128x128xi32, #tpu.memory_space<hbm>> -> memref<4x128xi32, #tpu.memory_space<hbm>>
      %dma_start3A_415 = arith.constant 0 : i32
      %dma_start3A_416 = tpu.memref_slice %arg2[%mul3A_2, %dma_start3A_415] : memref<128x128xi32, #tpu.memory_space<hbm>> -> memref<4x128xi32, #tpu.memory_space<hbm>>
      tpu.enqueue_dma source(%dma_start3A_416 : memref<4x128xi32, #tpu.memory_space<hbm>>) target(%arg8 : memref<4x128xi32, #tpu.memory_space<vmem>>) target_semaphore(%run_scoped3A : memref<!tpu.dma_semaphore, #tpu.memory_space<semaphore_mem>>)
      %dma_wait3A_417 = arith.constant 0 : i32
      %dma_wait3A_418 = tpu.memref_slice %arg2[%mul3A_2, %dma_wait3A_417] : memref<128x128xi32, #tpu.memory_space<hbm>> -> memref<4x128xi32, #tpu.memory_space<hbm>>
      %dma_wait3A_419 = arith.constant 0 : i32
      %dma_wait3A_420 = tpu.memref_slice %arg2[%mul3A_2, %dma_wait3A_419] : memref<128x128xi32, #tpu.memory_space<hbm>> -> memref<4x128xi32, #tpu.memory_space<hbm>>
      tpu.wait_dma2 semaphore(%run_scoped3A : memref<!tpu.dma_semaphore, #tpu.memory_space<semaphore_mem>>) src(%dma_wait3A_420 : memref<4x128xi32, #tpu.memory_space<hbm>>) dst(%arg8 : memref<4x128xi32, #tpu.memory_space<vmem>>)
      tpu.yield
    }) : () -> ()
    %mul3A_3 = arith.constant 4 : i32
    %mul3A_4 = arith.muli %add3A, %mul3A_3 : i32
    "tpu.region"() ({
      %run_scoped3A = tpu.sem_alloc : memref<!tpu.dma_semaphore, #tpu.memory_space<semaphore_mem>>
      %dma_start3A_413 = arith.constant 0 : i32
      %dma_start3A_414 = tpu.memref_slice %arg3[%mul3A_4, %dma_start3A_413] : memref<128x128xi32, #tpu.memory_space<hbm>> -> memref<4x128xi32, #tpu.memory_space<hbm>>
      %dma_start3A_415 = arith.constant 0 : i32
      %dma_start3A_416 = tpu.memref_slice %arg3[%mul3A_4, %dma_start3A_415] : memref<128x128xi32, #tpu.memory_space<hbm>> -> memref<4x128xi32, #tpu.memory_space<hbm>>
      tpu.enqueue_dma source(%dma_start3A_416 : memref<4x128xi32, #tpu.memory_space<hbm>>) target(%arg9 : memref<4x128xi32, #tpu.memory_space<vmem>>) target_semaphore(%run_scoped3A : memref<!tpu.dma_semaphore, #tpu.memory_space<semaphore_mem>>)
      %dma_wait3A_417 = arith.constant 0 : i32
      %dma_wait3A_418 = tpu.memref_slice %arg3[%mul3A_4, %dma_wait3A_417] : memref<128x128xi32, #tpu.memory_space<hbm>> -> memref<4x128xi32, #tpu.memory_space<hbm>>
      %dma_wait3A_419 = arith.constant 0 : i32
      %dma_wait3A_420 = tpu.memref_slice %arg3[%mul3A_4, %dma_wait3A_419] : memref<128x128xi32, #tpu.memory_space<hbm>> -> memref<4x128xi32, #tpu.memory_space<hbm>>
      tpu.wait_dma2 semaphore(%run_scoped3A : memref<!tpu.dma_semaphore, #tpu.memory_space<semaphore_mem>>) src(%dma_wait3A_420 : memref<4x128xi32, #tpu.memory_space<hbm>>) dst(%arg9 : memref<4x128xi32, #tpu.memory_space<vmem>>)
      tpu.yield
    }) : () -> ()
    %mul3A_5 = arith.constant 512 : i32
    %mul3A_6 = arith.muli %add3A, %mul3A_5 : i32
    %dma_start3A = arith.constant 0 : i32
    %dma_start3A_7 = arith.constant 0 : i32
    %dma_start3A_8 = arith.constant 0 : i32
    %dma_start3A_9 = arith.constant 0 : i32
    %dma_start3A_10 = tpu.memref_slice %arg10[%dma_start3A_7, %dma_start3A_8, %dma_start3A_9] : memref<3x128x128xf32, #tpu.memory_space<vmem>> -> memref<1x128x128xf32, #tpu.memory_space<vmem>>
    %dma_start3A_11 = tpu.memref_squeeze %dma_start3A_10 : memref<1x128x128xf32, #tpu.memory_space<vmem>> -> memref<128x128xf32, #tpu.memory_space<vmem>>
    %dma_start3A_12 = arith.constant 0 : i32
    %dma_start3A_13 = tpu.memref_slice %arg8[%dma_start3A, %dma_start3A_12] : memref<4x128xi32, #tpu.memory_space<vmem>> -> memref<1x128xi32, #tpu.memory_space<vmem>>
    %dma_start3A_14 = tpu.memref_squeeze %dma_start3A_13 : memref<1x128xi32, #tpu.memory_space<vmem>> -> memref<128xi32, #tpu.memory_space<vmem>>
    %dma_start3A_15 = arith.constant 0 : i32
    %dma_start3A_16 = arith.constant 0 : i32
    %dma_start3A_17 = tpu.memref_slice %arg4[%dma_start3A_15, %dma_start3A_16] : memref<253952x128xf32, #tpu.memory_space<hbm>> -> memref<253952x128xf32, #tpu.memory_space<hbm>>
    tpu.enqueue_indirect_dma source(%dma_start3A_17 : memref<253952x128xf32, #tpu.memory_space<hbm>>) target(%dma_start3A_11 : memref<128x128xf32, #tpu.memory_space<vmem>>) offsets(%dma_start3A_14 : memref<128xi32, #tpu.memory_space<vmem>>) semaphore(%arg12 : memref<!tpu.dma_semaphore, #tpu.memory_space<semaphore_mem>>)
    %dma_start3A_18 = arith.constant 0 : i32
    %dma_start3A_19 = arith.constant 0 : i32
    %dma_start3A_20 = arith.constant 0 : i32
    %dma_start3A_21 = arith.constant 0 : i32
    %dma_start3A_22 = tpu.memref_slice %arg11[%dma_start3A_19, %dma_start3A_20, %dma_start3A_21] : memref<3x128x128xf32, #tpu.memory_space<vmem>> -> memref<1x128x128xf32, #tpu.memory_space<vmem>>
    %dma_start3A_23 = tpu.memref_squeeze %dma_start3A_22 : memref<1x128x128xf32, #tpu.memory_space<vmem>> -> memref<128x128xf32, #tpu.memory_space<vmem>>
    %dma_start3A_24 = arith.constant 0 : i32
    %dma_start3A_25 = tpu.memref_slice %arg9[%dma_start3A_18, %dma_start3A_24] : memref<4x128xi32, #tpu.memory_space<vmem>> -> memref<1x128xi32, #tpu.memory_space<vmem>>
    %dma_start3A_26 = tpu.memref_squeeze %dma_start3A_25 : memref<1x128xi32, #tpu.memory_space<vmem>> -> memref<128xi32, #tpu.memory_space<vmem>>
    %dma_start3A_27 = arith.constant 0 : i32
    %dma_start3A_28 = arith.constant 0 : i32
    %dma_start3A_29 = tpu.memref_slice %arg5[%dma_start3A_27, %dma_start3A_28] : memref<32768x128xf32, #tpu.memory_space<hbm>> -> memref<32768x128xf32, #tpu.memory_space<hbm>>
    tpu.enqueue_indirect_dma source(%dma_start3A_29 : memref<32768x128xf32, #tpu.memory_space<hbm>>) target(%dma_start3A_23 : memref<128x128xf32, #tpu.memory_space<vmem>>) offsets(%dma_start3A_26 : memref<128xi32, #tpu.memory_space<vmem>>) semaphore(%arg12 : memref<!tpu.dma_semaphore, #tpu.memory_space<semaphore_mem>>)
    %dma_start3A_30 = arith.constant 1 : i32
    %dma_start3A_31 = arith.constant 1 : i32
    %dma_start3A_32 = arith.constant 0 : i32
    %dma_start3A_33 = arith.constant 0 : i32
    %dma_start3A_34 = tpu.memref_slice %arg10[%dma_start3A_31, %dma_start3A_32, %dma_start3A_33] : memref<3x128x128xf32, #tpu.memory_space<vmem>> -> memref<1x128x128xf32, #tpu.memory_space<vmem>>
    %dma_start3A_35 = tpu.memref_squeeze %dma_start3A_34 : memref<1x128x128xf32, #tpu.memory_space<vmem>> -> memref<128x128xf32, #tpu.memory_space<vmem>>
    %dma_start3A_36 = arith.constant 0 : i32
    %dma_start3A_37 = tpu.memref_slice %arg8[%dma_start3A_30, %dma_start3A_36] : memref<4x128xi32, #tpu.memory_space<vmem>> -> memref<1x128xi32, #tpu.memory_space<vmem>>
    %dma_start3A_38 = tpu.memref_squeeze %dma_start3A_37 : memref<1x128xi32, #tpu.memory_space<vmem>> -> memref<128xi32, #tpu.memory_space<vmem>>
    %dma_start3A_39 = arith.constant 0 : i32
    %dma_start3A_40 = arith.constant 0 : i32
    %dma_start3A_41 = tpu.memref_slice %arg4[%dma_start3A_39, %dma_start3A_40] : memref<253952x128xf32, #tpu.memory_space<hbm>> -> memref<253952x128xf32, #tpu.memory_space<hbm>>
    tpu.enqueue_indirect_dma source(%dma_start3A_41 : memref<253952x128xf32, #tpu.memory_space<hbm>>) target(%dma_start3A_35 : memref<128x128xf32, #tpu.memory_space<vmem>>) offsets(%dma_start3A_38 : memref<128xi32, #tpu.memory_space<vmem>>) semaphore(%arg13 : memref<!tpu.dma_semaphore, #tpu.memory_space<semaphore_mem>>)
    %dma_start3A_42 = arith.constant 1 : i32
    %dma_start3A_43 = arith.constant 1 : i32
    %dma_start3A_44 = arith.constant 0 : i32
    %dma_start3A_45 = arith.constant 0 : i32
    %dma_start3A_46 = tpu.memref_slice %arg11[%dma_start3A_43, %dma_start3A_44, %dma_start3A_45] : memref<3x128x128xf32, #tpu.memory_space<vmem>> -> memref<1x128x128xf32, #tpu.memory_space<vmem>>
    %dma_start3A_47 = tpu.memref_squeeze %dma_start3A_46 : memref<1x128x128xf32, #tpu.memory_space<vmem>> -> memref<128x128xf32, #tpu.memory_space<vmem>>
    %dma_start3A_48 = arith.constant 0 : i32
    %dma_start3A_49 = tpu.memref_slice %arg9[%dma_start3A_42, %dma_start3A_48] : memref<4x128xi32, #tpu.memory_space<vmem>> -> memref<1x128xi32, #tpu.memory_space<vmem>>
    %dma_start3A_50 = tpu.memref_squeeze %dma_start3A_49 : memref<1x128xi32, #tpu.memory_space<vmem>> -> memref<128xi32, #tpu.memory_space<vmem>>
    %dma_start3A_51 = arith.constant 0 : i32
    %dma_start3A_52 = arith.constant 0 : i32
    %dma_start3A_53 = tpu.memref_slice %arg5[%dma_start3A_51, %dma_start3A_52] : memref<32768x128xf32, #tpu.memory_space<hbm>> -> memref<32768x128xf32, #tpu.memory_space<hbm>>
    tpu.enqueue_indirect_dma source(%dma_start3A_53 : memref<32768x128xf32, #tpu.memory_space<hbm>>) target(%dma_start3A_47 : memref<128x128xf32, #tpu.memory_space<vmem>>) offsets(%dma_start3A_50 : memref<128xi32, #tpu.memory_space<vmem>>) semaphore(%arg13 : memref<!tpu.dma_semaphore, #tpu.memory_space<semaphore_mem>>)
    %dma_start3A_54 = arith.constant 2 : i32
    %dma_start3A_55 = arith.constant 2 : i32
    %dma_start3A_56 = arith.constant 0 : i32
    %dma_start3A_57 = arith.constant 0 : i32
    %dma_start3A_58 = tpu.memref_slice %arg10[%dma_start3A_55, %dma_start3A_56, %dma_start3A_57] : memref<3x128x128xf32, #tpu.memory_space<vmem>> -> memref<1x128x128xf32, #tpu.memory_space<vmem>>
    %dma_start3A_59 = tpu.memref_squeeze %dma_start3A_58 : memref<1x128x128xf32, #tpu.memory_space<vmem>> -> memref<128x128xf32, #tpu.memory_space<vmem>>
    %dma_start3A_60 = arith.constant 0 : i32
    %dma_start3A_61 = tpu.memref_slice %arg8[%dma_start3A_54, %dma_start3A_60] : memref<4x128xi32, #tpu.memory_space<vmem>> -> memref<1x128xi32, #tpu.memory_space<vmem>>
    %dma_start3A_62 = tpu.memref_squeeze %dma_start3A_61 : memref<1x128xi32, #tpu.memory_space<vmem>> -> memref<128xi32, #tpu.memory_space<vmem>>
    %dma_start3A_63 = arith.constant 0 : i32
    %dma_start3A_64 = arith.constant 0 : i32
    %dma_start3A_65 = tpu.memref_slice %arg4[%dma_start3A_63, %dma_start3A_64] : memref<253952x128xf32, #tpu.memory_space<hbm>> -> memref<253952x128xf32, #tpu.memory_space<hbm>>
    tpu.enqueue_indirect_dma source(%dma_start3A_65 : memref<253952x128xf32, #tpu.memory_space<hbm>>) target(%dma_start3A_59 : memref<128x128xf32, #tpu.memory_space<vmem>>) offsets(%dma_start3A_62 : memref<128xi32, #tpu.memory_space<vmem>>) semaphore(%arg14 : memref<!tpu.dma_semaphore, #tpu.memory_space<semaphore_mem>>)
    %dma_start3A_66 = arith.constant 2 : i32
    %dma_start3A_67 = arith.constant 2 : i32
    %dma_start3A_68 = arith.constant 0 : i32
    %dma_start3A_69 = arith.constant 0 : i32
    %dma_start3A_70 = tpu.memref_slice %arg11[%dma_start3A_67, %dma_start3A_68, %dma_start3A_69] : memref<3x128x128xf32, #tpu.memory_space<vmem>> -> memref<1x128x128xf32, #tpu.memory_space<vmem>>
    %dma_start3A_71 = tpu.memref_squeeze %dma_start3A_70 : memref<1x128x128xf32, #tpu.memory_space<vmem>> -> memref<128x128xf32, #tpu.memory_space<vmem>>
    %dma_start3A_72 = arith.constant 0 : i32
    %dma_start3A_73 = tpu.memref_slice %arg9[%dma_start3A_66, %dma_start3A_72] : memref<4x128xi32, #tpu.memory_space<vmem>> -> memref<1x128xi32, #tpu.memory_space<vmem>>
    %dma_start3A_74 = tpu.memref_squeeze %dma_start3A_73 : memref<1x128xi32, #tpu.memory_space<vmem>> -> memref<128xi32, #tpu.memory_space<vmem>>
    %dma_start3A_75 = arith.constant 0 : i32
    %dma_start3A_76 = arith.constant 0 : i32
    %dma_start3A_77 = tpu.memref_slice %arg5[%dma_start3A_75, %dma_start3A_76] : memref<32768x128xf32, #tpu.memory_space<hbm>> -> memref<32768x128xf32, #tpu.memory_space<hbm>>
    tpu.enqueue_indirect_dma source(%dma_start3A_77 : memref<32768x128xf32, #tpu.memory_space<hbm>>) target(%dma_start3A_71 : memref<128x128xf32, #tpu.memory_space<vmem>>) offsets(%dma_start3A_74 : memref<128xi32, #tpu.memory_space<vmem>>) semaphore(%arg14 : memref<!tpu.dma_semaphore, #tpu.memory_space<semaphore_mem>>)
    %dma_wait3A = arith.constant 0 : i32
    %dma_wait3A_78 = arith.constant 0 : i32
    %dma_wait3A_79 = arith.constant 0 : i32
    %dma_wait3A_80 = arith.constant 0 : i32
    %dma_wait3A_81 = tpu.memref_slice %arg10[%dma_wait3A_78, %dma_wait3A_79, %dma_wait3A_80] : memref<3x128x128xf32, #tpu.memory_space<vmem>> -> memref<1x128x128xf32, #tpu.memory_space<vmem>>
    %dma_wait3A_82 = tpu.memref_squeeze %dma_wait3A_81 : memref<1x128x128xf32, #tpu.memory_space<vmem>> -> memref<128x128xf32, #tpu.memory_space<vmem>>
    %dma_wait3A_83 = arith.constant 0 : i32
    %dma_wait3A_84 = tpu.memref_slice %arg8[%dma_wait3A, %dma_wait3A_83] : memref<4x128xi32, #tpu.memory_space<vmem>> -> memref<1x128xi32, #tpu.memory_space<vmem>>
    %dma_wait3A_85 = tpu.memref_squeeze %dma_wait3A_84 : memref<1x128xi32, #tpu.memory_space<vmem>> -> memref<128xi32, #tpu.memory_space<vmem>>
    %dma_wait3A_86 = arith.constant 0 : i32
    %dma_wait3A_87 = arith.constant 0 : i32
    %dma_wait3A_88 = tpu.memref_slice %arg4[%dma_wait3A_86, %dma_wait3A_87] : memref<253952x128xf32, #tpu.memory_space<hbm>> -> memref<253952x128xf32, #tpu.memory_space<hbm>>
    tpu.wait_indirect_dma semaphore(%arg12 : memref<!tpu.dma_semaphore, #tpu.memory_space<semaphore_mem>>) src(%dma_wait3A_88 : memref<253952x128xf32, #tpu.memory_space<hbm>>) dst(%dma_wait3A_82 : memref<128x128xf32, #tpu.memory_space<vmem>>)
    %dma_wait3A_89 = arith.constant 0 : i32
    %dma_wait3A_90 = arith.constant 0 : i32
    %dma_wait3A_91 = arith.constant 0 : i32
    %dma_wait3A_92 = arith.constant 0 : i32
    %dma_wait3A_93 = tpu.memref_slice %arg11[%dma_wait3A_90, %dma_wait3A_91, %dma_wait3A_92] : memref<3x128x128xf32, #tpu.memory_space<vmem>> -> memref<1x128x128xf32, #tpu.memory_space<vmem>>
    %dma_wait3A_94 = tpu.memref_squeeze %dma_wait3A_93 : memref<1x128x128xf32, #tpu.memory_space<vmem>> -> memref<128x128xf32, #tpu.memory_space<vmem>>
    %dma_wait3A_95 = arith.constant 0 : i32
    %dma_wait3A_96 = tpu.memref_slice %arg9[%dma_wait3A_89, %dma_wait3A_95] : memref<4x128xi32, #tpu.memory_space<vmem>> -> memref<1x128xi32, #tpu.memory_space<vmem>>
    %dma_wait3A_97 = tpu.memref_squeeze %dma_wait3A_96 : memref<1x128xi32, #tpu.memory_space<vmem>> -> memref<128xi32, #tpu.memory_space<vmem>>
    %dma_wait3A_98 = arith.constant 0 : i32
    %dma_wait3A_99 = arith.constant 0 : i32
    %dma_wait3A_100 = tpu.memref_slice %arg5[%dma_wait3A_98, %dma_wait3A_99] : memref<32768x128xf32, #tpu.memory_space<hbm>> -> memref<32768x128xf32, #tpu.memory_space<hbm>>
    tpu.wait_indirect_dma semaphore(%arg12 : memref<!tpu.dma_semaphore, #tpu.memory_space<semaphore_mem>>) src(%dma_wait3A_100 : memref<32768x128xf32, #tpu.memory_space<hbm>>) dst(%dma_wait3A_94 : memref<128x128xf32, #tpu.memory_space<vmem>>)
    %add3A_101 = arith.constant 0 : i32
    %add3A_102 = arith.addi %mul3A_6, %add3A_101 : i32
    %dma_start3A_103 = arith.constant 0 : i32
    %dma_start3A_104 = arith.constant 0 : i32
    %dma_start3A_105 = arith.constant 0 : i32
    %dma_start3A_106 = tpu.memref_slice %arg10[%dma_start3A_103, %dma_start3A_104, %dma_start3A_105] : memref<3x128x128xf32, #tpu.memory_space<vmem>> -> memref<1x128x128xf32, #tpu.memory_space<vmem>>
    %dma_start3A_107 = tpu.memref_squeeze %dma_start3A_106 : memref<1x128x128xf32, #tpu.memory_space<vmem>> -> memref<128x128xf32, #tpu.memory_space<vmem>>
    %dma_start3A_108 = arith.constant 0 : i32
    %dma_start3A_109 = tpu.memref_slice %arg6[%add3A_102, %dma_start3A_108] : memref<16384x128xf32, #tpu.memory_space<hbm>> -> memref<128x128xf32, #tpu.memory_space<hbm>>
    %dma_start3A_110 = arith.constant 0 : i32
    %dma_start3A_111 = tpu.memref_slice %arg6[%add3A_102, %dma_start3A_110] : memref<16384x128xf32, #tpu.memory_space<hbm>> -> memref<128x128xf32, #tpu.memory_space<hbm>>
    %dma_start3A_112 = arith.constant 0 : i32
    %dma_start3A_113 = arith.constant 0 : i32
    %dma_start3A_114 = tpu.memref_slice %arg10[%dma_start3A_103, %dma_start3A_112, %dma_start3A_113] : memref<3x128x128xf32, #tpu.memory_space<vmem>> -> memref<1x128x128xf32, #tpu.memory_space<vmem>>
    %dma_start3A_115 = tpu.memref_squeeze %dma_start3A_114 : memref<1x128x128xf32, #tpu.memory_space<vmem>> -> memref<128x128xf32, #tpu.memory_space<vmem>>
    tpu.enqueue_dma source(%dma_start3A_115 : memref<128x128xf32, #tpu.memory_space<vmem>>) target(%dma_start3A_111 : memref<128x128xf32, #tpu.memory_space<hbm>>) target_semaphore(%arg15 : memref<!tpu.dma_semaphore, #tpu.memory_space<semaphore_mem>>)
    %dma_start3A_116 = arith.constant 0 : i32
    %dma_start3A_117 = arith.constant 0 : i32
    %dma_start3A_118 = arith.constant 0 : i32
    %dma_start3A_119 = tpu.memref_slice %arg11[%dma_start3A_116, %dma_start3A_117, %dma_start3A_118] : memref<3x128x128xf32, #tpu.memory_space<vmem>> -> memref<1x128x128xf32, #tpu.memory_space<vmem>>
    %dma_start3A_120 = tpu.memref_squeeze %dma_start3A_119 : memref<1x128x128xf32, #tpu.memory_space<vmem>> -> memref<128x128xf32, #tpu.memory_space<vmem>>
    %dma_start3A_121 = arith.constant 0 : i32
    %dma_start3A_122 = tpu.memref_slice %arg7[%add3A_102, %dma_start3A_121] : memref<16384x128xf32, #tpu.memory_space<hbm>> -> memref<128x128xf32, #tpu.memory_space<hbm>>
    %dma_start3A_123 = arith.constant 0 : i32
    %dma_start3A_124 = tpu.memref_slice %arg7[%add3A_102, %dma_start3A_123] : memref<16384x128xf32, #tpu.memory_space<hbm>> -> memref<128x128xf32, #tpu.memory_space<hbm>>
    %dma_start3A_125 = arith.constant 0 : i32
    %dma_start3A_126 = arith.constant 0 : i32
    %dma_start3A_127 = tpu.memref_slice %arg11[%dma_start3A_116, %dma_start3A_125, %dma_start3A_126] : memref<3x128x128xf32, #tpu.memory_space<vmem>> -> memref<1x128x128xf32, #tpu.memory_space<vmem>>
    %dma_start3A_128 = tpu.memref_squeeze %dma_start3A_127 : memref<1x128x128xf32, #tpu.memory_space<vmem>> -> memref<128x128xf32, #tpu.memory_space<vmem>>
    tpu.enqueue_dma source(%dma_start3A_128 : memref<128x128xf32, #tpu.memory_space<vmem>>) target(%dma_start3A_124 : memref<128x128xf32, #tpu.memory_space<hbm>>) target_semaphore(%arg15 : memref<!tpu.dma_semaphore, #tpu.memory_space<semaphore_mem>>)
    %dma_wait3A_129 = arith.constant 0 : i32
    %dma_wait3A_130 = arith.constant 0 : i32
    %dma_wait3A_131 = arith.constant 0 : i32
    %dma_wait3A_132 = tpu.memref_slice %arg10[%dma_wait3A_129, %dma_wait3A_130, %dma_wait3A_131] : memref<3x128x128xf32, #tpu.memory_space<vmem>> -> memref<1x128x128xf32, #tpu.memory_space<vmem>>
    %dma_wait3A_133 = tpu.memref_squeeze %dma_wait3A_132 : memref<1x128x128xf32, #tpu.memory_space<vmem>> -> memref<128x128xf32, #tpu.memory_space<vmem>>
    %dma_wait3A_134 = arith.constant 0 : i32
    %dma_wait3A_135 = tpu.memref_slice %arg6[%add3A_102, %dma_wait3A_134] : memref<16384x128xf32, #tpu.memory_space<hbm>> -> memref<128x128xf32, #tpu.memory_space<hbm>>
    %dma_wait3A_136 = arith.constant 0 : i32
    %dma_wait3A_137 = tpu.memref_slice %arg6[%add3A_102, %dma_wait3A_136] : memref<16384x128xf32, #tpu.memory_space<hbm>> -> memref<128x128xf32, #tpu.memory_space<hbm>>
    %dma_wait3A_138 = arith.constant 0 : i32
    %dma_wait3A_139 = arith.constant 0 : i32
    %dma_wait3A_140 = tpu.memref_slice %arg10[%dma_wait3A_129, %dma_wait3A_138, %dma_wait3A_139] : memref<3x128x128xf32, #tpu.memory_space<vmem>> -> memref<1x128x128xf32, #tpu.memory_space<vmem>>
    %dma_wait3A_141 = tpu.memref_squeeze %dma_wait3A_140 : memref<1x128x128xf32, #tpu.memory_space<vmem>> -> memref<128x128xf32, #tpu.memory_space<vmem>>
    tpu.wait_dma2 semaphore(%arg15 : memref<!tpu.dma_semaphore, #tpu.memory_space<semaphore_mem>>) src(%dma_wait3A_141 : memref<128x128xf32, #tpu.memory_space<vmem>>) dst(%dma_wait3A_137 : memref<128x128xf32, #tpu.memory_space<hbm>>)
    %dma_wait3A_142 = arith.constant 0 : i32
    %dma_wait3A_143 = arith.constant 0 : i32
    %dma_wait3A_144 = arith.constant 0 : i32
    %dma_wait3A_145 = tpu.memref_slice %arg11[%dma_wait3A_142, %dma_wait3A_143, %dma_wait3A_144] : memref<3x128x128xf32, #tpu.memory_space<vmem>> -> memref<1x128x128xf32, #tpu.memory_space<vmem>>
    %dma_wait3A_146 = tpu.memref_squeeze %dma_wait3A_145 : memref<1x128x128xf32, #tpu.memory_space<vmem>> -> memref<128x128xf32, #tpu.memory_space<vmem>>
    %dma_wait3A_147 = arith.constant 0 : i32
    %dma_wait3A_148 = tpu.memref_slice %arg7[%add3A_102, %dma_wait3A_147] : memref<16384x128xf32, #tpu.memory_space<hbm>> -> memref<128x128xf32, #tpu.memory_space<hbm>>
    %dma_wait3A_149 = arith.constant 0 : i32
    %dma_wait3A_150 = tpu.memref_slice %arg7[%add3A_102, %dma_wait3A_149] : memref<16384x128xf32, #tpu.memory_space<hbm>> -> memref<128x128xf32, #tpu.memory_space<hbm>>
    %dma_wait3A_151 = arith.constant 0 : i32
    %dma_wait3A_152 = arith.constant 0 : i32
    %dma_wait3A_153 = tpu.memref_slice %arg11[%dma_wait3A_142, %dma_wait3A_151, %dma_wait3A_152] : memref<3x128x128xf32, #tpu.memory_space<vmem>> -> memref<1x128x128xf32, #tpu.memory_space<vmem>>
    %dma_wait3A_154 = tpu.memref_squeeze %dma_wait3A_153 : memref<1x128x128xf32, #tpu.memory_space<vmem>> -> memref<128x128xf32, #tpu.memory_space<vmem>>
    tpu.wait_dma2 semaphore(%arg15 : memref<!tpu.dma_semaphore, #tpu.memory_space<semaphore_mem>>) src(%dma_wait3A_154 : memref<128x128xf32, #tpu.memory_space<vmem>>) dst(%dma_wait3A_150 : memref<128x128xf32, #tpu.memory_space<hbm>>)
    %dma_start3A_155 = arith.constant 3 : i32
    %dma_start3A_156 = arith.constant 0 : i32
    %dma_start3A_157 = arith.constant 0 : i32
    %dma_start3A_158 = arith.constant 0 : i32
    %dma_start3A_159 = tpu.memref_slice %arg10[%dma_start3A_156, %dma_start3A_157, %dma_start3A_158] : memref<3x128x128xf32, #tpu.memory_space<vmem>> -> memref<1x128x128xf32, #tpu.memory_space<vmem>>
    %dma_start3A_160 = tpu.memref_squeeze %dma_start3A_159 : memref<1x128x128xf32, #tpu.memory_space<vmem>> -> memref<128x128xf32, #tpu.memory_space<vmem>>
    %dma_start3A_161 = arith.constant 0 : i32
    %dma_start3A_162 = tpu.memref_slice %arg8[%dma_start3A_155, %dma_start3A_161] : memref<4x128xi32, #tpu.memory_space<vmem>> -> memref<1x128xi32, #tpu.memory_space<vmem>>
    %dma_start3A_163 = tpu.memref_squeeze %dma_start3A_162 : memref<1x128xi32, #tpu.memory_space<vmem>> -> memref<128xi32, #tpu.memory_space<vmem>>
    %dma_start3A_164 = arith.constant 0 : i32
    %dma_start3A_165 = arith.constant 0 : i32
    %dma_start3A_166 = tpu.memref_slice %arg4[%dma_start3A_164, %dma_start3A_165] : memref<253952x128xf32, #tpu.memory_space<hbm>> -> memref<253952x128xf32, #tpu.memory_space<hbm>>
    tpu.enqueue_indirect_dma source(%dma_start3A_166 : memref<253952x128xf32, #tpu.memory_space<hbm>>) target(%dma_start3A_160 : memref<128x128xf32, #tpu.memory_space<vmem>>) offsets(%dma_start3A_163 : memref<128xi32, #tpu.memory_space<vmem>>) semaphore(%arg12 : memref<!tpu.dma_semaphore, #tpu.memory_space<semaphore_mem>>)
    %dma_start3A_167 = arith.constant 3 : i32
    %dma_start3A_168 = arith.constant 0 : i32
    %dma_start3A_169 = arith.constant 0 : i32
    %dma_start3A_170 = arith.constant 0 : i32
    %dma_start3A_171 = tpu.memref_slice %arg11[%dma_start3A_168, %dma_start3A_169, %dma_start3A_170] : memref<3x128x128xf32, #tpu.memory_space<vmem>> -> memref<1x128x128xf32, #tpu.memory_space<vmem>>
    %dma_start3A_172 = tpu.memref_squeeze %dma_start3A_171 : memref<1x128x128xf32, #tpu.memory_space<vmem>> -> memref<128x128xf32, #tpu.memory_space<vmem>>
    %dma_start3A_173 = arith.constant 0 : i32
    %dma_start3A_174 = tpu.memref_slice %arg9[%dma_start3A_167, %dma_start3A_173] : memref<4x128xi32, #tpu.memory_space<vmem>> -> memref<1x128xi32, #tpu.memory_space<vmem>>
    %dma_start3A_175 = tpu.memref_squeeze %dma_start3A_174 : memref<1x128xi32, #tpu.memory_space<vmem>> -> memref<128xi32, #tpu.memory_space<vmem>>
    %dma_start3A_176 = arith.constant 0 : i32
    %dma_start3A_177 = arith.constant 0 : i32
    %dma_start3A_178 = tpu.memref_slice %arg5[%dma_start3A_176, %dma_start3A_177] : memref<32768x128xf32, #tpu.memory_space<hbm>> -> memref<32768x128xf32, #tpu.memory_space<hbm>>
    tpu.enqueue_indirect_dma source(%dma_start3A_178 : memref<32768x128xf32, #tpu.memory_space<hbm>>) target(%dma_start3A_172 : memref<128x128xf32, #tpu.memory_space<vmem>>) offsets(%dma_start3A_175 : memref<128xi32, #tpu.memory_space<vmem>>) semaphore(%arg12 : memref<!tpu.dma_semaphore, #tpu.memory_space<semaphore_mem>>)
    %dma_wait3A_179 = arith.constant 1 : i32
    %dma_wait3A_180 = arith.constant 1 : i32
    %dma_wait3A_181 = arith.constant 0 : i32
    %dma_wait3A_182 = arith.constant 0 : i32
    %dma_wait3A_183 = tpu.memref_slice %arg10[%dma_wait3A_180, %dma_wait3A_181, %dma_wait3A_182] : memref<3x128x128xf32, #tpu.memory_space<vmem>> -> memref<1x128x128xf32, #tpu.memory_space<vmem>>
    %dma_wait3A_184 = tpu.memref_squeeze %dma_wait3A_183 : memref<1x128x128xf32, #tpu.memory_space<vmem>> -> memref<128x128xf32, #tpu.memory_space<vmem>>
    %dma_wait3A_185 = arith.constant 0 : i32
    %dma_wait3A_186 = tpu.memref_slice %arg8[%dma_wait3A_179, %dma_wait3A_185] : memref<4x128xi32, #tpu.memory_space<vmem>> -> memref<1x128xi32, #tpu.memory_space<vmem>>
    %dma_wait3A_187 = tpu.memref_squeeze %dma_wait3A_186 : memref<1x128xi32, #tpu.memory_space<vmem>> -> memref<128xi32, #tpu.memory_space<vmem>>
    %dma_wait3A_188 = arith.constant 0 : i32
    %dma_wait3A_189 = arith.constant 0 : i32
    %dma_wait3A_190 = tpu.memref_slice %arg4[%dma_wait3A_188, %dma_wait3A_189] : memref<253952x128xf32, #tpu.memory_space<hbm>> -> memref<253952x128xf32, #tpu.memory_space<hbm>>
    tpu.wait_indirect_dma semaphore(%arg13 : memref<!tpu.dma_semaphore, #tpu.memory_space<semaphore_mem>>) src(%dma_wait3A_190 : memref<253952x128xf32, #tpu.memory_space<hbm>>) dst(%dma_wait3A_184 : memref<128x128xf32, #tpu.memory_space<vmem>>)
    %dma_wait3A_191 = arith.constant 1 : i32
    %dma_wait3A_192 = arith.constant 1 : i32
    %dma_wait3A_193 = arith.constant 0 : i32
    %dma_wait3A_194 = arith.constant 0 : i32
    %dma_wait3A_195 = tpu.memref_slice %arg11[%dma_wait3A_192, %dma_wait3A_193, %dma_wait3A_194] : memref<3x128x128xf32, #tpu.memory_space<vmem>> -> memref<1x128x128xf32, #tpu.memory_space<vmem>>
    %dma_wait3A_196 = tpu.memref_squeeze %dma_wait3A_195 : memref<1x128x128xf32, #tpu.memory_space<vmem>> -> memref<128x128xf32, #tpu.memory_space<vmem>>
    %dma_wait3A_197 = arith.constant 0 : i32
    %dma_wait3A_198 = tpu.memref_slice %arg9[%dma_wait3A_191, %dma_wait3A_197] : memref<4x128xi32, #tpu.memory_space<vmem>> -> memref<1x128xi32, #tpu.memory_space<vmem>>
    %dma_wait3A_199 = tpu.memref_squeeze %dma_wait3A_198 : memref<1x128xi32, #tpu.memory_space<vmem>> -> memref<128xi32, #tpu.memory_space<vmem>>
    %dma_wait3A_200 = arith.constant 0 : i32
    %dma_wait3A_201 = arith.constant 0 : i32
    %dma_wait3A_202 = tpu.memref_slice %arg5[%dma_wait3A_200, %dma_wait3A_201] : memref<32768x128xf32, #tpu.memory_space<hbm>> -> memref<32768x128xf32, #tpu.memory_space<hbm>>
    tpu.wait_indirect_dma semaphore(%arg13 : memref<!tpu.dma_semaphore, #tpu.memory_space<semaphore_mem>>) src(%dma_wait3A_202 : memref<32768x128xf32, #tpu.memory_space<hbm>>) dst(%dma_wait3A_196 : memref<128x128xf32, #tpu.memory_space<vmem>>)
    %add3A_203 = arith.constant 128 : i32
    %add3A_204 = arith.addi %mul3A_6, %add3A_203 : i32
    %dma_start3A_205 = arith.constant 1 : i32
    %dma_start3A_206 = arith.constant 0 : i32
    %dma_start3A_207 = arith.constant 0 : i32
    %dma_start3A_208 = tpu.memref_slice %arg10[%dma_start3A_205, %dma_start3A_206, %dma_start3A_207] : memref<3x128x128xf32, #tpu.memory_space<vmem>> -> memref<1x128x128xf32, #tpu.memory_space<vmem>>
    %dma_start3A_209 = tpu.memref_squeeze %dma_start3A_208 : memref<1x128x128xf32, #tpu.memory_space<vmem>> -> memref<128x128xf32, #tpu.memory_space<vmem>>
    %dma_start3A_210 = arith.constant 0 : i32
    %dma_start3A_211 = tpu.memref_slice %arg6[%add3A_204, %dma_start3A_210] : memref<16384x128xf32, #tpu.memory_space<hbm>> -> memref<128x128xf32, #tpu.memory_space<hbm>>
    %dma_start3A_212 = arith.constant 0 : i32
    %dma_start3A_213 = tpu.memref_slice %arg6[%add3A_204, %dma_start3A_212] : memref<16384x128xf32, #tpu.memory_space<hbm>> -> memref<128x128xf32, #tpu.memory_space<hbm>>
    %dma_start3A_214 = arith.constant 0 : i32
    %dma_start3A_215 = arith.constant 0 : i32
    %dma_start3A_216 = tpu.memref_slice %arg10[%dma_start3A_205, %dma_start3A_214, %dma_start3A_215] : memref<3x128x128xf32, #tpu.memory_space<vmem>> -> memref<1x128x128xf32, #tpu.memory_space<vmem>>
    %dma_start3A_217 = tpu.memref_squeeze %dma_start3A_216 : memref<1x128x128xf32, #tpu.memory_space<vmem>> -> memref<128x128xf32, #tpu.memory_space<vmem>>
    tpu.enqueue_dma source(%dma_start3A_217 : memref<128x128xf32, #tpu.memory_space<vmem>>) target(%dma_start3A_213 : memref<128x128xf32, #tpu.memory_space<hbm>>) target_semaphore(%arg16 : memref<!tpu.dma_semaphore, #tpu.memory_space<semaphore_mem>>)
    %dma_start3A_218 = arith.constant 1 : i32
    %dma_start3A_219 = arith.constant 0 : i32
    %dma_start3A_220 = arith.constant 0 : i32
    %dma_start3A_221 = tpu.memref_slice %arg11[%dma_start3A_218, %dma_start3A_219, %dma_start3A_220] : memref<3x128x128xf32, #tpu.memory_space<vmem>> -> memref<1x128x128xf32, #tpu.memory_space<vmem>>
    %dma_start3A_222 = tpu.memref_squeeze %dma_start3A_221 : memref<1x128x128xf32, #tpu.memory_space<vmem>> -> memref<128x128xf32, #tpu.memory_space<vmem>>
    %dma_start3A_223 = arith.constant 0 : i32
    %dma_start3A_224 = tpu.memref_slice %arg7[%add3A_204, %dma_start3A_223] : memref<16384x128xf32, #tpu.memory_space<hbm>> -> memref<128x128xf32, #tpu.memory_space<hbm>>
    %dma_start3A_225 = arith.constant 0 : i32
    %dma_start3A_226 = tpu.memref_slice %arg7[%add3A_204, %dma_start3A_225] : memref<16384x128xf32, #tpu.memory_space<hbm>> -> memref<128x128xf32, #tpu.memory_space<hbm>>
    %dma_start3A_227 = arith.constant 0 : i32
    %dma_start3A_228 = arith.constant 0 : i32
    %dma_start3A_229 = tpu.memref_slice %arg11[%dma_start3A_218, %dma_start3A_227, %dma_start3A_228] : memref<3x128x128xf32, #tpu.memory_space<vmem>> -> memref<1x128x128xf32, #tpu.memory_space<vmem>>
    %dma_start3A_230 = tpu.memref_squeeze %dma_start3A_229 : memref<1x128x128xf32, #tpu.memory_space<vmem>> -> memref<128x128xf32, #tpu.memory_space<vmem>>
    tpu.enqueue_dma source(%dma_start3A_230 : memref<128x128xf32, #tpu.memory_space<vmem>>) target(%dma_start3A_226 : memref<128x128xf32, #tpu.memory_space<hbm>>) target_semaphore(%arg16 : memref<!tpu.dma_semaphore, #tpu.memory_space<semaphore_mem>>)
    %dma_wait3A_231 = arith.constant 2 : i32
    %dma_wait3A_232 = arith.constant 2 : i32
    %dma_wait3A_233 = arith.constant 0 : i32
    %dma_wait3A_234 = arith.constant 0 : i32
    %dma_wait3A_235 = tpu.memref_slice %arg10[%dma_wait3A_232, %dma_wait3A_233, %dma_wait3A_234] : memref<3x128x128xf32, #tpu.memory_space<vmem>> -> memref<1x128x128xf32, #tpu.memory_space<vmem>>
    %dma_wait3A_236 = tpu.memref_squeeze %dma_wait3A_235 : memref<1x128x128xf32, #tpu.memory_space<vmem>> -> memref<128x128xf32, #tpu.memory_space<vmem>>
    %dma_wait3A_237 = arith.constant 0 : i32
    %dma_wait3A_238 = tpu.memref_slice %arg8[%dma_wait3A_231, %dma_wait3A_237] : memref<4x128xi32, #tpu.memory_space<vmem>> -> memref<1x128xi32, #tpu.memory_space<vmem>>
    %dma_wait3A_239 = tpu.memref_squeeze %dma_wait3A_238 : memref<1x128xi32, #tpu.memory_space<vmem>> -> memref<128xi32, #tpu.memory_space<vmem>>
    %dma_wait3A_240 = arith.constant 0 : i32
    %dma_wait3A_241 = arith.constant 0 : i32
    %dma_wait3A_242 = tpu.memref_slice %arg4[%dma_wait3A_240, %dma_wait3A_241] : memref<253952x128xf32, #tpu.memory_space<hbm>> -> memref<253952x128xf32, #tpu.memory_space<hbm>>
    tpu.wait_indirect_dma semaphore(%arg14 : memref<!tpu.dma_semaphore, #tpu.memory_space<semaphore_mem>>) src(%dma_wait3A_242 : memref<253952x128xf32, #tpu.memory_space<hbm>>) dst(%dma_wait3A_236 : memref<128x128xf32, #tpu.memory_space<vmem>>)
    %dma_wait3A_243 = arith.constant 2 : i32
    %dma_wait3A_244 = arith.constant 2 : i32
    %dma_wait3A_245 = arith.constant 0 : i32
    %dma_wait3A_246 = arith.constant 0 : i32
    %dma_wait3A_247 = tpu.memref_slice %arg11[%dma_wait3A_244, %dma_wait3A_245, %dma_wait3A_246] : memref<3x128x128xf32, #tpu.memory_space<vmem>> -> memref<1x128x128xf32, #tpu.memory_space<vmem>>
    %dma_wait3A_248 = tpu.memref_squeeze %dma_wait3A_247 : memref<1x128x128xf32, #tpu.memory_space<vmem>> -> memref<128x128xf32, #tpu.memory_space<vmem>>
    %dma_wait3A_249 = arith.constant 0 : i32
    %dma_wait3A_250 = tpu.memref_slice %arg9[%dma_wait3A_243, %dma_wait3A_249] : memref<4x128xi32, #tpu.memory_space<vmem>> -> memref<1x128xi32, #tpu.memory_space<vmem>>
    %dma_wait3A_251 = tpu.memref_squeeze %dma_wait3A_250 : memref<1x128xi32, #tpu.memory_space<vmem>> -> memref<128xi32, #tpu.memory_space<vmem>>
    %dma_wait3A_252 = arith.constant 0 : i32
    %dma_wait3A_253 = arith.constant 0 : i32
    %dma_wait3A_254 = tpu.memref_slice %arg5[%dma_wait3A_252, %dma_wait3A_253] : memref<32768x128xf32, #tpu.memory_space<hbm>> -> memref<32768x128xf32, #tpu.memory_space<hbm>>
    tpu.wait_indirect_dma semaphore(%arg14 : memref<!tpu.dma_semaphore, #tpu.memory_space<semaphore_mem>>) src(%dma_wait3A_254 : memref<32768x128xf32, #tpu.memory_space<hbm>>) dst(%dma_wait3A_248 : memref<128x128xf32, #tpu.memory_space<vmem>>)
    %add3A_255 = arith.constant 256 : i32
    %add3A_256 = arith.addi %mul3A_6, %add3A_255 : i32
    %dma_start3A_257 = arith.constant 2 : i32
    %dma_start3A_258 = arith.constant 0 : i32
    %dma_start3A_259 = arith.constant 0 : i32
    %dma_start3A_260 = tpu.memref_slice %arg10[%dma_start3A_257, %dma_start3A_258, %dma_start3A_259] : memref<3x128x128xf32, #tpu.memory_space<vmem>> -> memref<1x128x128xf32, #tpu.memory_space<vmem>>
    %dma_start3A_261 = tpu.memref_squeeze %dma_start3A_260 : memref<1x128x128xf32, #tpu.memory_space<vmem>> -> memref<128x128xf32, #tpu.memory_space<vmem>>
    %dma_start3A_262 = arith.constant 0 : i32
    %dma_start3A_263 = tpu.memref_slice %arg6[%add3A_256, %dma_start3A_262] : memref<16384x128xf32, #tpu.memory_space<hbm>> -> memref<128x128xf32, #tpu.memory_space<hbm>>
    %dma_start3A_264 = arith.constant 0 : i32
    %dma_start3A_265 = tpu.memref_slice %arg6[%add3A_256, %dma_start3A_264] : memref<16384x128xf32, #tpu.memory_space<hbm>> -> memref<128x128xf32, #tpu.memory_space<hbm>>
    %dma_start3A_266 = arith.constant 0 : i32
    %dma_start3A_267 = arith.constant 0 : i32
    %dma_start3A_268 = tpu.memref_slice %arg10[%dma_start3A_257, %dma_start3A_266, %dma_start3A_267] : memref<3x128x128xf32, #tpu.memory_space<vmem>> -> memref<1x128x128xf32, #tpu.memory_space<vmem>>
    %dma_start3A_269 = tpu.memref_squeeze %dma_start3A_268 : memref<1x128x128xf32, #tpu.memory_space<vmem>> -> memref<128x128xf32, #tpu.memory_space<vmem>>
    tpu.enqueue_dma source(%dma_start3A_269 : memref<128x128xf32, #tpu.memory_space<vmem>>) target(%dma_start3A_265 : memref<128x128xf32, #tpu.memory_space<hbm>>) target_semaphore(%arg17 : memref<!tpu.dma_semaphore, #tpu.memory_space<semaphore_mem>>)
    %dma_start3A_270 = arith.constant 2 : i32
    %dma_start3A_271 = arith.constant 0 : i32
    %dma_start3A_272 = arith.constant 0 : i32
    %dma_start3A_273 = tpu.memref_slice %arg11[%dma_start3A_270, %dma_start3A_271, %dma_start3A_272] : memref<3x128x128xf32, #tpu.memory_space<vmem>> -> memref<1x128x128xf32, #tpu.memory_space<vmem>>
    %dma_start3A_274 = tpu.memref_squeeze %dma_start3A_273 : memref<1x128x128xf32, #tpu.memory_space<vmem>> -> memref<128x128xf32, #tpu.memory_space<vmem>>
    %dma_start3A_275 = arith.constant 0 : i32
    %dma_start3A_276 = tpu.memref_slice %arg7[%add3A_256, %dma_start3A_275] : memref<16384x128xf32, #tpu.memory_space<hbm>> -> memref<128x128xf32, #tpu.memory_space<hbm>>
    %dma_start3A_277 = arith.constant 0 : i32
    %dma_start3A_278 = tpu.memref_slice %arg7[%add3A_256, %dma_start3A_277] : memref<16384x128xf32, #tpu.memory_space<hbm>> -> memref<128x128xf32, #tpu.memory_space<hbm>>
    %dma_start3A_279 = arith.constant 0 : i32
    %dma_start3A_280 = arith.constant 0 : i32
    %dma_start3A_281 = tpu.memref_slice %arg11[%dma_start3A_270, %dma_start3A_279, %dma_start3A_280] : memref<3x128x128xf32, #tpu.memory_space<vmem>> -> memref<1x128x128xf32, #tpu.memory_space<vmem>>
    %dma_start3A_282 = tpu.memref_squeeze %dma_start3A_281 : memref<1x128x128xf32, #tpu.memory_space<vmem>> -> memref<128x128xf32, #tpu.memory_space<vmem>>
    tpu.enqueue_dma source(%dma_start3A_282 : memref<128x128xf32, #tpu.memory_space<vmem>>) target(%dma_start3A_278 : memref<128x128xf32, #tpu.memory_space<hbm>>) target_semaphore(%arg17 : memref<!tpu.dma_semaphore, #tpu.memory_space<semaphore_mem>>)
    %dma_wait3A_283 = arith.constant 3 : i32
    %dma_wait3A_284 = arith.constant 0 : i32
    %dma_wait3A_285 = arith.constant 0 : i32
    %dma_wait3A_286 = arith.constant 0 : i32
    %dma_wait3A_287 = tpu.memref_slice %arg10[%dma_wait3A_284, %dma_wait3A_285, %dma_wait3A_286] : memref<3x128x128xf32, #tpu.memory_space<vmem>> -> memref<1x128x128xf32, #tpu.memory_space<vmem>>
    %dma_wait3A_288 = tpu.memref_squeeze %dma_wait3A_287 : memref<1x128x128xf32, #tpu.memory_space<vmem>> -> memref<128x128xf32, #tpu.memory_space<vmem>>
    %dma_wait3A_289 = arith.constant 0 : i32
    %dma_wait3A_290 = tpu.memref_slice %arg8[%dma_wait3A_283, %dma_wait3A_289] : memref<4x128xi32, #tpu.memory_space<vmem>> -> memref<1x128xi32, #tpu.memory_space<vmem>>
    %dma_wait3A_291 = tpu.memref_squeeze %dma_wait3A_290 : memref<1x128xi32, #tpu.memory_space<vmem>> -> memref<128xi32, #tpu.memory_space<vmem>>
    %dma_wait3A_292 = arith.constant 0 : i32
    %dma_wait3A_293 = arith.constant 0 : i32
    %dma_wait3A_294 = tpu.memref_slice %arg4[%dma_wait3A_292, %dma_wait3A_293] : memref<253952x128xf32, #tpu.memory_space<hbm>> -> memref<253952x128xf32, #tpu.memory_space<hbm>>
    tpu.wait_indirect_dma semaphore(%arg12 : memref<!tpu.dma_semaphore, #tpu.memory_space<semaphore_mem>>) src(%dma_wait3A_294 : memref<253952x128xf32, #tpu.memory_space<hbm>>) dst(%dma_wait3A_288 : memref<128x128xf32, #tpu.memory_space<vmem>>)
    %dma_wait3A_295 = arith.constant 3 : i32
    %dma_wait3A_296 = arith.constant 0 : i32
    %dma_wait3A_297 = arith.constant 0 : i32
    %dma_wait3A_298 = arith.constant 0 : i32
    %dma_wait3A_299 = tpu.memref_slice %arg11[%dma_wait3A_296, %dma_wait3A_297, %dma_wait3A_298] : memref<3x128x128xf32, #tpu.memory_space<vmem>> -> memref<1x128x128xf32, #tpu.memory_space<vmem>>
    %dma_wait3A_300 = tpu.memref_squeeze %dma_wait3A_299 : memref<1x128x128xf32, #tpu.memory_space<vmem>> -> memref<128x128xf32, #tpu.memory_space<vmem>>
    %dma_wait3A_301 = arith.constant 0 : i32
    %dma_wait3A_302 = tpu.memref_slice %arg9[%dma_wait3A_295, %dma_wait3A_301] : memref<4x128xi32, #tpu.memory_space<vmem>> -> memref<1x128xi32, #tpu.memory_space<vmem>>
    %dma_wait3A_303 = tpu.memref_squeeze %dma_wait3A_302 : memref<1x128xi32, #tpu.memory_space<vmem>> -> memref<128xi32, #tpu.memory_space<vmem>>
    %dma_wait3A_304 = arith.constant 0 : i32
    %dma_wait3A_305 = arith.constant 0 : i32
    %dma_wait3A_306 = tpu.memref_slice %arg5[%dma_wait3A_304, %dma_wait3A_305] : memref<32768x128xf32, #tpu.memory_space<hbm>> -> memref<32768x128xf32, #tpu.memory_space<hbm>>
    tpu.wait_indirect_dma semaphore(%arg12 : memref<!tpu.dma_semaphore, #tpu.memory_space<semaphore_mem>>) src(%dma_wait3A_306 : memref<32768x128xf32, #tpu.memory_space<hbm>>) dst(%dma_wait3A_300 : memref<128x128xf32, #tpu.memory_space<vmem>>)
    %add3A_307 = arith.constant 384 : i32
    %add3A_308 = arith.addi %mul3A_6, %add3A_307 : i32
    %dma_start3A_309 = arith.constant 0 : i32
    %dma_start3A_310 = arith.constant 0 : i32
    %dma_start3A_311 = arith.constant 0 : i32
    %dma_start3A_312 = tpu.memref_slice %arg10[%dma_start3A_309, %dma_start3A_310, %dma_start3A_311] : memref<3x128x128xf32, #tpu.memory_space<vmem>> -> memref<1x128x128xf32, #tpu.memory_space<vmem>>
    %dma_start3A_313 = tpu.memref_squeeze %dma_start3A_312 : memref<1x128x128xf32, #tpu.memory_space<vmem>> -> memref<128x128xf32, #tpu.memory_space<vmem>>
    %dma_start3A_314 = arith.constant 0 : i32
    %dma_start3A_315 = tpu.memref_slice %arg6[%add3A_308, %dma_start3A_314] : memref<16384x128xf32, #tpu.memory_space<hbm>> -> memref<128x128xf32, #tpu.memory_space<hbm>>
    %dma_start3A_316 = arith.constant 0 : i32
    %dma_start3A_317 = tpu.memref_slice %arg6[%add3A_308, %dma_start3A_316] : memref<16384x128xf32, #tpu.memory_space<hbm>> -> memref<128x128xf32, #tpu.memory_space<hbm>>
    %dma_start3A_318 = arith.constant 0 : i32
    %dma_start3A_319 = arith.constant 0 : i32
    %dma_start3A_320 = tpu.memref_slice %arg10[%dma_start3A_309, %dma_start3A_318, %dma_start3A_319] : memref<3x128x128xf32, #tpu.memory_space<vmem>> -> memref<1x128x128xf32, #tpu.memory_space<vmem>>
    %dma_start3A_321 = tpu.memref_squeeze %dma_start3A_320 : memref<1x128x128xf32, #tpu.memory_space<vmem>> -> memref<128x128xf32, #tpu.memory_space<vmem>>
    tpu.enqueue_dma source(%dma_start3A_321 : memref<128x128xf32, #tpu.memory_space<vmem>>) target(%dma_start3A_317 : memref<128x128xf32, #tpu.memory_space<hbm>>) target_semaphore(%arg15 : memref<!tpu.dma_semaphore, #tpu.memory_space<semaphore_mem>>)
    %dma_start3A_322 = arith.constant 0 : i32
    %dma_start3A_323 = arith.constant 0 : i32
    %dma_start3A_324 = arith.constant 0 : i32
    %dma_start3A_325 = tpu.memref_slice %arg11[%dma_start3A_322, %dma_start3A_323, %dma_start3A_324] : memref<3x128x128xf32, #tpu.memory_space<vmem>> -> memref<1x128x128xf32, #tpu.memory_space<vmem>>
    %dma_start3A_326 = tpu.memref_squeeze %dma_start3A_325 : memref<1x128x128xf32, #tpu.memory_space<vmem>> -> memref<128x128xf32, #tpu.memory_space<vmem>>
    %dma_start3A_327 = arith.constant 0 : i32
    %dma_start3A_328 = tpu.memref_slice %arg7[%add3A_308, %dma_start3A_327] : memref<16384x128xf32, #tpu.memory_space<hbm>> -> memref<128x128xf32, #tpu.memory_space<hbm>>
    %dma_start3A_329 = arith.constant 0 : i32
    %dma_start3A_330 = tpu.memref_slice %arg7[%add3A_308, %dma_start3A_329] : memref<16384x128xf32, #tpu.memory_space<hbm>> -> memref<128x128xf32, #tpu.memory_space<hbm>>
    %dma_start3A_331 = arith.constant 0 : i32
    %dma_start3A_332 = arith.constant 0 : i32
    %dma_start3A_333 = tpu.memref_slice %arg11[%dma_start3A_322, %dma_start3A_331, %dma_start3A_332] : memref<3x128x128xf32, #tpu.memory_space<vmem>> -> memref<1x128x128xf32, #tpu.memory_space<vmem>>
    %dma_start3A_334 = tpu.memref_squeeze %dma_start3A_333 : memref<1x128x128xf32, #tpu.memory_space<vmem>> -> memref<128x128xf32, #tpu.memory_space<vmem>>
    tpu.enqueue_dma source(%dma_start3A_334 : memref<128x128xf32, #tpu.memory_space<vmem>>) target(%dma_start3A_330 : memref<128x128xf32, #tpu.memory_space<hbm>>) target_semaphore(%arg15 : memref<!tpu.dma_semaphore, #tpu.memory_space<semaphore_mem>>)
    %dma_wait3A_335 = arith.constant 1 : i32
    %dma_wait3A_336 = arith.constant 0 : i32
    %dma_wait3A_337 = arith.constant 0 : i32
    %dma_wait3A_338 = tpu.memref_slice %arg10[%dma_wait3A_335, %dma_wait3A_336, %dma_wait3A_337] : memref<3x128x128xf32, #tpu.memory_space<vmem>> -> memref<1x128x128xf32, #tpu.memory_space<vmem>>
    %dma_wait3A_339 = tpu.memref_squeeze %dma_wait3A_338 : memref<1x128x128xf32, #tpu.memory_space<vmem>> -> memref<128x128xf32, #tpu.memory_space<vmem>>
    %dma_wait3A_340 = arith.constant 0 : i32
    %dma_wait3A_341 = tpu.memref_slice %arg6[%add3A_204, %dma_wait3A_340] : memref<16384x128xf32, #tpu.memory_space<hbm>> -> memref<128x128xf32, #tpu.memory_space<hbm>>
    %dma_wait3A_342 = arith.constant 0 : i32
    %dma_wait3A_343 = tpu.memref_slice %arg6[%add3A_204, %dma_wait3A_342] : memref<16384x128xf32, #tpu.memory_space<hbm>> -> memref<128x128xf32, #tpu.memory_space<hbm>>
    %dma_wait3A_344 = arith.constant 0 : i32
    %dma_wait3A_345 = arith.constant 0 : i32
    %dma_wait3A_346 = tpu.memref_slice %arg10[%dma_wait3A_335, %dma_wait3A_344, %dma_wait3A_345] : memref<3x128x128xf32, #tpu.memory_space<vmem>> -> memref<1x128x128xf32, #tpu.memory_space<vmem>>
    %dma_wait3A_347 = tpu.memref_squeeze %dma_wait3A_346 : memref<1x128x128xf32, #tpu.memory_space<vmem>> -> memref<128x128xf32, #tpu.memory_space<vmem>>
    tpu.wait_dma2 semaphore(%arg16 : memref<!tpu.dma_semaphore, #tpu.memory_space<semaphore_mem>>) src(%dma_wait3A_347 : memref<128x128xf32, #tpu.memory_space<vmem>>) dst(%dma_wait3A_343 : memref<128x128xf32, #tpu.memory_space<hbm>>)
    %dma_wait3A_348 = arith.constant 1 : i32
    %dma_wait3A_349 = arith.constant 0 : i32
    %dma_wait3A_350 = arith.constant 0 : i32
    %dma_wait3A_351 = tpu.memref_slice %arg11[%dma_wait3A_348, %dma_wait3A_349, %dma_wait3A_350] : memref<3x128x128xf32, #tpu.memory_space<vmem>> -> memref<1x128x128xf32, #tpu.memory_space<vmem>>
    %dma_wait3A_352 = tpu.memref_squeeze %dma_wait3A_351 : memref<1x128x128xf32, #tpu.memory_space<vmem>> -> memref<128x128xf32, #tpu.memory_space<vmem>>
    %dma_wait3A_353 = arith.constant 0 : i32
    %dma_wait3A_354 = tpu.memref_slice %arg7[%add3A_204, %dma_wait3A_353] : memref<16384x128xf32, #tpu.memory_space<hbm>> -> memref<128x128xf32, #tpu.memory_space<hbm>>
    %dma_wait3A_355 = arith.constant 0 : i32
    %dma_wait3A_356 = tpu.memref_slice %arg7[%add3A_204, %dma_wait3A_355] : memref<16384x128xf32, #tpu.memory_space<hbm>> -> memref<128x128xf32, #tpu.memory_space<hbm>>
    %dma_wait3A_357 = arith.constant 0 : i32
    %dma_wait3A_358 = arith.constant 0 : i32
    %dma_wait3A_359 = tpu.memref_slice %arg11[%dma_wait3A_348, %dma_wait3A_357, %dma_wait3A_358] : memref<3x128x128xf32, #tpu.memory_space<vmem>> -> memref<1x128x128xf32, #tpu.memory_space<vmem>>
    %dma_wait3A_360 = tpu.memref_squeeze %dma_wait3A_359 : memref<1x128x128xf32, #tpu.memory_space<vmem>> -> memref<128x128xf32, #tpu.memory_space<vmem>>
    tpu.wait_dma2 semaphore(%arg16 : memref<!tpu.dma_semaphore, #tpu.memory_space<semaphore_mem>>) src(%dma_wait3A_360 : memref<128x128xf32, #tpu.memory_space<vmem>>) dst(%dma_wait3A_356 : memref<128x128xf32, #tpu.memory_space<hbm>>)
    %dma_wait3A_361 = arith.constant 2 : i32
    %dma_wait3A_362 = arith.constant 0 : i32
    %dma_wait3A_363 = arith.constant 0 : i32
    %dma_wait3A_364 = tpu.memref_slice %arg10[%dma_wait3A_361, %dma_wait3A_362, %dma_wait3A_363] : memref<3x128x128xf32, #tpu.memory_space<vmem>> -> memref<1x128x128xf32, #tpu.memory_space<vmem>>
    %dma_wait3A_365 = tpu.memref_squeeze %dma_wait3A_364 : memref<1x128x128xf32, #tpu.memory_space<vmem>> -> memref<128x128xf32, #tpu.memory_space<vmem>>
    %dma_wait3A_366 = arith.constant 0 : i32
    %dma_wait3A_367 = tpu.memref_slice %arg6[%add3A_256, %dma_wait3A_366] : memref<16384x128xf32, #tpu.memory_space<hbm>> -> memref<128x128xf32, #tpu.memory_space<hbm>>
    %dma_wait3A_368 = arith.constant 0 : i32
    %dma_wait3A_369 = tpu.memref_slice %arg6[%add3A_256, %dma_wait3A_368] : memref<16384x128xf32, #tpu.memory_space<hbm>> -> memref<128x128xf32, #tpu.memory_space<hbm>>
    %dma_wait3A_370 = arith.constant 0 : i32
    %dma_wait3A_371 = arith.constant 0 : i32
    %dma_wait3A_372 = tpu.memref_slice %arg10[%dma_wait3A_361, %dma_wait3A_370, %dma_wait3A_371] : memref<3x128x128xf32, #tpu.memory_space<vmem>> -> memref<1x128x128xf32, #tpu.memory_space<vmem>>
    %dma_wait3A_373 = tpu.memref_squeeze %dma_wait3A_372 : memref<1x128x128xf32, #tpu.memory_space<vmem>> -> memref<128x128xf32, #tpu.memory_space<vmem>>
    tpu.wait_dma2 semaphore(%arg17 : memref<!tpu.dma_semaphore, #tpu.memory_space<semaphore_mem>>) src(%dma_wait3A_373 : memref<128x128xf32, #tpu.memory_space<vmem>>) dst(%dma_wait3A_369 : memref<128x128xf32, #tpu.memory_space<hbm>>)
    %dma_wait3A_374 = arith.constant 2 : i32
    %dma_wait3A_375 = arith.constant 0 : i32
    %dma_wait3A_376 = arith.constant 0 : i32
    %dma_wait3A_377 = tpu.memref_slice %arg11[%dma_wait3A_374, %dma_wait3A_375, %dma_wait3A_376] : memref<3x128x128xf32, #tpu.memory_space<vmem>> -> memref<1x128x128xf32, #tpu.memory_space<vmem>>
    %dma_wait3A_378 = tpu.memref_squeeze %dma_wait3A_377 : memref<1x128x128xf32, #tpu.memory_space<vmem>> -> memref<128x128xf32, #tpu.memory_space<vmem>>
    %dma_wait3A_379 = arith.constant 0 : i32
    %dma_wait3A_380 = tpu.memref_slice %arg7[%add3A_256, %dma_wait3A_379] : memref<16384x128xf32, #tpu.memory_space<hbm>> -> memref<128x128xf32, #tpu.memory_space<hbm>>
    %dma_wait3A_381 = arith.constant 0 : i32
    %dma_wait3A_382 = tpu.memref_slice %arg7[%add3A_256, %dma_wait3A_381] : memref<16384x128xf32, #tpu.memory_space<hbm>> -> memref<128x128xf32, #tpu.memory_space<hbm>>
    %dma_wait3A_383 = arith.constant 0 : i32
    %dma_wait3A_384 = arith.constant 0 : i32
    %dma_wait3A_385 = tpu.memref_slice %arg11[%dma_wait3A_374, %dma_wait3A_383, %dma_wait3A_384] : memref<3x128x128xf32, #tpu.memory_space<vmem>> -> memref<1x128x128xf32, #tpu.memory_space<vmem>>
    %dma_wait3A_386 = tpu.memref_squeeze %dma_wait3A_385 : memref<1x128x128xf32, #tpu.memory_space<vmem>> -> memref<128x128xf32, #tpu.memory_space<vmem>>
    tpu.wait_dma2 semaphore(%arg17 : memref<!tpu.dma_semaphore, #tpu.memory_space<semaphore_mem>>) src(%dma_wait3A_386 : memref<128x128xf32, #tpu.memory_space<vmem>>) dst(%dma_wait3A_382 : memref<128x128xf32, #tpu.memory_space<hbm>>)
    %dma_wait3A_387 = arith.constant 0 : i32
    %dma_wait3A_388 = arith.constant 0 : i32
    %dma_wait3A_389 = arith.constant 0 : i32
    %dma_wait3A_390 = tpu.memref_slice %arg10[%dma_wait3A_387, %dma_wait3A_388, %dma_wait3A_389] : memref<3x128x128xf32, #tpu.memory_space<vmem>> -> memref<1x128x128xf32, #tpu.memory_space<vmem>>
    %dma_wait3A_391 = tpu.memref_squeeze %dma_wait3A_390 : memref<1x128x128xf32, #tpu.memory_space<vmem>> -> memref<128x128xf32, #tpu.memory_space<vmem>>
    %dma_wait3A_392 = arith.constant 0 : i32
    %dma_wait3A_393 = tpu.memref_slice %arg6[%add3A_308, %dma_wait3A_392] : memref<16384x128xf32, #tpu.memory_space<hbm>> -> memref<128x128xf32, #tpu.memory_space<hbm>>
    %dma_wait3A_394 = arith.constant 0 : i32
    %dma_wait3A_395 = tpu.memref_slice %arg6[%add3A_308, %dma_wait3A_394] : memref<16384x128xf32, #tpu.memory_space<hbm>> -> memref<128x128xf32, #tpu.memory_space<hbm>>
    %dma_wait3A_396 = arith.constant 0 : i32
    %dma_wait3A_397 = arith.constant 0 : i32
    %dma_wait3A_398 = tpu.memref_slice %arg10[%dma_wait3A_387, %dma_wait3A_396, %dma_wait3A_397] : memref<3x128x128xf32, #tpu.memory_space<vmem>> -> memref<1x128x128xf32, #tpu.memory_space<vmem>>
    %dma_wait3A_399 = tpu.memref_squeeze %dma_wait3A_398 : memref<1x128x128xf32, #tpu.memory_space<vmem>> -> memref<128x128xf32, #tpu.memory_space<vmem>>
    tpu.wait_dma2 semaphore(%arg15 : memref<!tpu.dma_semaphore, #tpu.memory_space<semaphore_mem>>) src(%dma_wait3A_399 : memref<128x128xf32, #tpu.memory_space<vmem>>) dst(%dma_wait3A_395 : memref<128x128xf32, #tpu.memory_space<hbm>>)
    %dma_wait3A_400 = arith.constant 0 : i32
    %dma_wait3A_401 = arith.constant 0 : i32
    %dma_wait3A_402 = arith.constant 0 : i32
    %dma_wait3A_403 = tpu.memref_slice %arg11[%dma_wait3A_400, %dma_wait3A_401, %dma_wait3A_402] : memref<3x128x128xf32, #tpu.memory_space<vmem>> -> memref<1x128x128xf32, #tpu.memory_space<vmem>>
    %dma_wait3A_404 = tpu.memref_squeeze %dma_wait3A_403 : memref<1x128x128xf32, #tpu.memory_space<vmem>> -> memref<128x128xf32, #tpu.memory_space<vmem>>
    %dma_wait3A_405 = arith.constant 0 : i32
    %dma_wait3A_406 = tpu.memref_slice %arg7[%add3A_308, %dma_wait3A_405] : memref<16384x128xf32, #tpu.memory_space<hbm>> -> memref<128x128xf32, #tpu.memory_space<hbm>>
    %dma_wait3A_407 = arith.constant 0 : i32
    %dma_wait3A_408 = tpu.memref_slice %arg7[%add3A_308, %dma_wait3A_407] : memref<16384x128xf32, #tpu.memory_space<hbm>> -> memref<128x128xf32, #tpu.memory_space<hbm>>
    %dma_wait3A_409 = arith.constant 0 : i32
    %dma_wait3A_410 = arith.constant 0 : i32
    %dma_wait3A_411 = tpu.memref_slice %arg11[%dma_wait3A_400, %dma_wait3A_409, %dma_wait3A_410] : memref<3x128x128xf32, #tpu.memory_space<vmem>> -> memref<1x128x128xf32, #tpu.memory_space<vmem>>
    %dma_wait3A_412 = tpu.memref_squeeze %dma_wait3A_411 : memref<1x128x128xf32, #tpu.memory_space<vmem>> -> memref<128x128xf32, #tpu.memory_space<vmem>>
    tpu.wait_dma2 semaphore(%arg15 : memref<!tpu.dma_semaphore, #tpu.memory_space<semaphore_mem>>) src(%dma_wait3A_412 : memref<128x128xf32, #tpu.memory_space<vmem>>) dst(%dma_wait3A_408 : memref<128x128xf32, #tpu.memory_space<hbm>>)
    return
  }
}

module attributes {stable_mosaic.version = 14 : i64} {
  func.func @_tr_body(%arg0: i32, %arg1: memref<32x32768xf32, #tpu.memory_space<vmem>>, %arg2: memref<8192x128xf32, #tpu.memory_space<vmem>>) attributes {dimension_semantics = [#tpu.dimension_semantics<arbitrary>], iteration_bounds = array<i64: 31>, scalar_prefetch = 0 : i64, scratch_operands = 0 : i64, tpu.core_type = #tpu.core_type<tc>, window_params = [{transform_indices = @transform_0, window_bounds = array<i64: 32, 32768>}, {transform_indices = @transform_1, window_bounds = array<i64: 8192, 128>}]} {
    %iota3A = tpu.iota {dimensions = array<i32: 0>} : vector<32x32xi32>
    %iota3A_0 = tpu.iota {dimensions = array<i32: 1>} : vector<32x32xi32>
    %add3A = arith.constant 0 : i32
    %add3A_1 = vector.broadcast %add3A : i32 to vector<32x32xi32>
    %add3A_2 = arith.addi %iota3A, %add3A_1 : vector<32x32xi32>
    %eq3A = arith.cmpi eq, %add3A_2, %iota3A_0 : vector<32x32xi32>
    %convert_element_type3A = arith.extui %eq3A : vector<32x32xi1> to vector<32x32xi32>
    %convert_element_type3A_3 = arith.sitofp %convert_element_type3A : vector<32x32xi32> to vector<32x32xf32>
    %jit3A = arith.constant 0 : i32
    %convert_element_type3A_4 = arith.sitofp %jit3A : i32 to f32
    %pad3A = vector.broadcast %convert_element_type3A_4 : f32 to vector<32x96xf32>
    %pad3A_5 = tpu.concatenate %convert_element_type3A_3, %pad3A in 1 : vector<32x32xf32>, vector<32x96xf32> -> vector<32x128xf32>
    %get3A = arith.constant 0 : index
    %get3A_6 = arith.constant 0 : index
    %get3A_7 = vector.load %arg1[%get3A, %get3A_6] : memref<32x32768xf32, #tpu.memory_space<vmem>>, vector<32x8192xf32>
    %dot_general3A = arith.constant dense<0.000000e+00> : vector<8192x128xf32>
    %dot_general3A_8 = tpu.matmul %get3A_7, %pad3A_5, %dot_general3A {dimension_numbers = #tpu.dot_dimension_numbers<[0], [0], [1], [1], [0, 1, 1, 1], [], []>, transpose_lhs_hint = true} : vector<32x8192xf32>, vector<32x128xf32>, vector<8192x128xf32> -> vector<8192x128xf32>
    %jit3A_9 = arith.constant 0 : i32
    %convert_element_type3A_10 = arith.sitofp %jit3A_9 : i32 to f32
    %pad3A_11 = vector.broadcast %convert_element_type3A_10 : f32 to vector<32x32xf32>
    %pad3A_12 = tpu.concatenate %pad3A_11, %convert_element_type3A_3 in 1 : vector<32x32xf32>, vector<32x32xf32> -> vector<32x64xf32>
    %pad3A_13 = vector.broadcast %convert_element_type3A_10 : f32 to vector<32x64xf32>
    %pad3A_14 = tpu.concatenate %pad3A_12, %pad3A_13 in 1 : vector<32x64xf32>, vector<32x64xf32> -> vector<32x128xf32>
    %get3A_15 = arith.constant 0 : index
    %get3A_16 = arith.constant 8192 : index
    %get3A_17 = vector.load %arg1[%get3A_15, %get3A_16] : memref<32x32768xf32, #tpu.memory_space<vmem>>, vector<32x8192xf32>
    %dot_general3A_18 = arith.constant dense<0.000000e+00> : vector<8192x128xf32>
    %dot_general3A_19 = tpu.matmul %get3A_17, %pad3A_14, %dot_general3A_18 {dimension_numbers = #tpu.dot_dimension_numbers<[0], [0], [1], [1], [0, 1, 1, 1], [], []>, transpose_lhs_hint = true} : vector<32x8192xf32>, vector<32x128xf32>, vector<8192x128xf32> -> vector<8192x128xf32>
    %add3A_20 = arith.addf %dot_general3A_8, %dot_general3A_19 : vector<8192x128xf32>
    %jit3A_21 = arith.constant 0 : i32
    %convert_element_type3A_22 = arith.sitofp %jit3A_21 : i32 to f32
    %pad3A_23 = vector.broadcast %convert_element_type3A_22 : f32 to vector<32x64xf32>
    %pad3A_24 = tpu.concatenate %pad3A_23, %convert_element_type3A_3 in 1 : vector<32x64xf32>, vector<32x32xf32> -> vector<32x96xf32>
    %pad3A_25 = vector.broadcast %convert_element_type3A_22 : f32 to vector<32x32xf32>
    %pad3A_26 = tpu.concatenate %pad3A_24, %pad3A_25 in 1 : vector<32x96xf32>, vector<32x32xf32> -> vector<32x128xf32>
    %get3A_27 = arith.constant 0 : index
    %get3A_28 = arith.constant 16384 : index
    %get3A_29 = vector.load %arg1[%get3A_27, %get3A_28] : memref<32x32768xf32, #tpu.memory_space<vmem>>, vector<32x8192xf32>
    %dot_general3A_30 = arith.constant dense<0.000000e+00> : vector<8192x128xf32>
    %dot_general3A_31 = tpu.matmul %get3A_29, %pad3A_26, %dot_general3A_30 {dimension_numbers = #tpu.dot_dimension_numbers<[0], [0], [1], [1], [0, 1, 1, 1], [], []>, transpose_lhs_hint = true} : vector<32x8192xf32>, vector<32x128xf32>, vector<8192x128xf32> -> vector<8192x128xf32>
    %add3A_32 = arith.addf %add3A_20, %dot_general3A_31 : vector<8192x128xf32>
    %jit3A_33 = arith.constant 0 : i32
    %convert_element_type3A_34 = arith.sitofp %jit3A_33 : i32 to f32
    %pad3A_35 = vector.broadcast %convert_element_type3A_34 : f32 to vector<32x96xf32>
    %pad3A_36 = tpu.concatenate %pad3A_35, %convert_element_type3A_3 in 1 : vector<32x96xf32>, vector<32x32xf32> -> vector<32x128xf32>
    %get3A_37 = arith.constant 0 : index
    %get3A_38 = arith.constant 24576 : index
    %get3A_39 = vector.load %arg1[%get3A_37, %get3A_38] : memref<32x32768xf32, #tpu.memory_space<vmem>>, vector<32x8192xf32>
    %dot_general3A_40 = arith.constant dense<0.000000e+00> : vector<8192x128xf32>
    %dot_general3A_41 = tpu.matmul %get3A_39, %pad3A_36, %dot_general3A_40 {dimension_numbers = #tpu.dot_dimension_numbers<[0], [0], [1], [1], [0, 1, 1, 1], [], []>, transpose_lhs_hint = true} : vector<32x8192xf32>, vector<32x128xf32>, vector<8192x128xf32> -> vector<8192x128xf32>
    %add3A_42 = arith.addf %add3A_32, %dot_general3A_41 : vector<8192x128xf32>
    %swap3A = arith.constant 0 : index
    %swap3A_43 = arith.constant 0 : index
    %swap3A_44 = vector.load %arg2[%swap3A, %swap3A_43] : memref<8192x128xf32, #tpu.memory_space<vmem>>, vector<8192x128xf32>
    tpu.vector_store %arg2[%swap3A, %swap3A_43], %add3A_42 {strides = array<i32>} : memref<8192x128xf32, #tpu.memory_space<vmem>>, vector<8192x128xf32>,
    return
  }
  func.func @transform_0(%arg0: i32) -> (i32, i32) {
    %c0_i32 = arith.constant 0 : i32
    %c0_i32_0 = arith.constant 0 : i32
    return %c0_i32, %arg0 : i32, i32
  }
  func.func @transform_1(%arg0: i32) -> (i32, i32) {
    %c0_i32 = arith.constant 0 : i32
    %c0_i32_0 = arith.constant 0 : i32
    return %arg0, %c0_i32 : i32, i32
  }
}

module attributes {stable_mosaic.version = 14 : i64} {
  func.func @_tr_body(%arg0: i32, %arg1: memref<32x32768xf32, #tpu.memory_space<vmem>>, %arg2: memref<8192x128xf32, #tpu.memory_space<vmem>>) attributes {dimension_semantics = [#tpu.dimension_semantics<arbitrary>], iteration_bounds = array<i64: 4>, scalar_prefetch = 0 : i64, scratch_operands = 0 : i64, tpu.core_type = #tpu.core_type<tc>, window_params = [{transform_indices = @transform_0, window_bounds = array<i64: 32, 32768>}, {transform_indices = @transform_1, window_bounds = array<i64: 8192, 128>}]} {
    %iota3A = tpu.iota {dimensions = array<i32: 0>} : vector<32x32xi32>
    %iota3A_0 = tpu.iota {dimensions = array<i32: 1>} : vector<32x32xi32>
    %add3A = arith.constant 0 : i32
    %add3A_1 = vector.broadcast %add3A : i32 to vector<32x32xi32>
    %add3A_2 = arith.addi %iota3A, %add3A_1 : vector<32x32xi32>
    %eq3A = arith.cmpi eq, %add3A_2, %iota3A_0 : vector<32x32xi32>
    %convert_element_type3A = arith.extui %eq3A : vector<32x32xi1> to vector<32x32xi32>
    %convert_element_type3A_3 = arith.sitofp %convert_element_type3A : vector<32x32xi32> to vector<32x32xf32>
    %jit3A = arith.constant 0 : i32
    %convert_element_type3A_4 = arith.sitofp %jit3A : i32 to f32
    %pad3A = vector.broadcast %convert_element_type3A_4 : f32 to vector<32x96xf32>
    %pad3A_5 = tpu.concatenate %convert_element_type3A_3, %pad3A in 1 : vector<32x32xf32>, vector<32x96xf32> -> vector<32x128xf32>
    %get3A = arith.constant 0 : index
    %get3A_6 = arith.constant 0 : index
    %get3A_7 = vector.load %arg1[%get3A, %get3A_6] : memref<32x32768xf32, #tpu.memory_space<vmem>>, vector<32x8192xf32>
    %dot_general3A = arith.constant dense<0.000000e+00> : vector<8192x128xf32>
    %dot_general3A_8 = tpu.matmul %get3A_7, %pad3A_5, %dot_general3A {dimension_numbers = #tpu.dot_dimension_numbers<[0], [0], [1], [1], [0, 1, 1, 1], [], []>, transpose_lhs_hint = true} : vector<32x8192xf32>, vector<32x128xf32>, vector<8192x128xf32> -> vector<8192x128xf32>
    %jit3A_9 = arith.constant 0 : i32
    %convert_element_type3A_10 = arith.sitofp %jit3A_9 : i32 to f32
    %pad3A_11 = vector.broadcast %convert_element_type3A_10 : f32 to vector<32x32xf32>
    %pad3A_12 = tpu.concatenate %pad3A_11, %convert_element_type3A_3 in 1 : vector<32x32xf32>, vector<32x32xf32> -> vector<32x64xf32>
    %pad3A_13 = vector.broadcast %convert_element_type3A_10 : f32 to vector<32x64xf32>
    %pad3A_14 = tpu.concatenate %pad3A_12, %pad3A_13 in 1 : vector<32x64xf32>, vector<32x64xf32> -> vector<32x128xf32>
    %get3A_15 = arith.constant 0 : index
    %get3A_16 = arith.constant 8192 : index
    %get3A_17 = vector.load %arg1[%get3A_15, %get3A_16] : memref<32x32768xf32, #tpu.memory_space<vmem>>, vector<32x8192xf32>
    %dot_general3A_18 = arith.constant dense<0.000000e+00> : vector<8192x128xf32>
    %dot_general3A_19 = tpu.matmul %get3A_17, %pad3A_14, %dot_general3A_18 {dimension_numbers = #tpu.dot_dimension_numbers<[0], [0], [1], [1], [0, 1, 1, 1], [], []>, transpose_lhs_hint = true} : vector<32x8192xf32>, vector<32x128xf32>, vector<8192x128xf32> -> vector<8192x128xf32>
    %add3A_20 = arith.addf %dot_general3A_8, %dot_general3A_19 : vector<8192x128xf32>
    %jit3A_21 = arith.constant 0 : i32
    %convert_element_type3A_22 = arith.sitofp %jit3A_21 : i32 to f32
    %pad3A_23 = vector.broadcast %convert_element_type3A_22 : f32 to vector<32x64xf32>
    %pad3A_24 = tpu.concatenate %pad3A_23, %convert_element_type3A_3 in 1 : vector<32x64xf32>, vector<32x32xf32> -> vector<32x96xf32>
    %pad3A_25 = vector.broadcast %convert_element_type3A_22 : f32 to vector<32x32xf32>
    %pad3A_26 = tpu.concatenate %pad3A_24, %pad3A_25 in 1 : vector<32x96xf32>, vector<32x32xf32> -> vector<32x128xf32>
    %get3A_27 = arith.constant 0 : index
    %get3A_28 = arith.constant 16384 : index
    %get3A_29 = vector.load %arg1[%get3A_27, %get3A_28] : memref<32x32768xf32, #tpu.memory_space<vmem>>, vector<32x8192xf32>
    %dot_general3A_30 = arith.constant dense<0.000000e+00> : vector<8192x128xf32>
    %dot_general3A_31 = tpu.matmul %get3A_29, %pad3A_26, %dot_general3A_30 {dimension_numbers = #tpu.dot_dimension_numbers<[0], [0], [1], [1], [0, 1, 1, 1], [], []>, transpose_lhs_hint = true} : vector<32x8192xf32>, vector<32x128xf32>, vector<8192x128xf32> -> vector<8192x128xf32>
    %add3A_32 = arith.addf %add3A_20, %dot_general3A_31 : vector<8192x128xf32>
    %jit3A_33 = arith.constant 0 : i32
    %convert_element_type3A_34 = arith.sitofp %jit3A_33 : i32 to f32
    %pad3A_35 = vector.broadcast %convert_element_type3A_34 : f32 to vector<32x96xf32>
    %pad3A_36 = tpu.concatenate %pad3A_35, %convert_element_type3A_3 in 1 : vector<32x96xf32>, vector<32x32xf32> -> vector<32x128xf32>
    %get3A_37 = arith.constant 0 : index
    %get3A_38 = arith.constant 24576 : index
    %get3A_39 = vector.load %arg1[%get3A_37, %get3A_38] : memref<32x32768xf32, #tpu.memory_space<vmem>>, vector<32x8192xf32>
    %dot_general3A_40 = arith.constant dense<0.000000e+00> : vector<8192x128xf32>
    %dot_general3A_41 = tpu.matmul %get3A_39, %pad3A_36, %dot_general3A_40 {dimension_numbers = #tpu.dot_dimension_numbers<[0], [0], [1], [1], [0, 1, 1, 1], [], []>, transpose_lhs_hint = true} : vector<32x8192xf32>, vector<32x128xf32>, vector<8192x128xf32> -> vector<8192x128xf32>
    %add3A_42 = arith.addf %add3A_32, %dot_general3A_41 : vector<8192x128xf32>
    %swap3A = arith.constant 0 : index
    %swap3A_43 = arith.constant 0 : index
    %swap3A_44 = vector.load %arg2[%swap3A, %swap3A_43] : memref<8192x128xf32, #tpu.memory_space<vmem>>, vector<8192x128xf32>
    tpu.vector_store %arg2[%swap3A, %swap3A_43], %add3A_42 {strides = array<i32>} : memref<8192x128xf32, #tpu.memory_space<vmem>>, vector<8192x128xf32>,
    return
  }
  func.func @transform_0(%arg0: i32) -> (i32, i32) {
    %c0_i32 = arith.constant 0 : i32
    %c0_i32_0 = arith.constant 0 : i32
    return %c0_i32, %arg0 : i32, i32
  }
  func.func @transform_1(%arg0: i32) -> (i32, i32) {
    %c0_i32 = arith.constant 0 : i32
    %c0_i32_0 = arith.constant 0 : i32
    return %arg0, %c0_i32 : i32, i32
  }
}

module attributes {stable_mosaic.version = 14 : i64} {
  func.func @_mlp_body(%arg0: i32, %arg1: memref<2048x128xf32, #tpu.memory_space<vmem>>, %arg2: memref<2048x128xf32, #tpu.memory_space<vmem>>, %arg3: memref<2048x2xi32, #tpu.memory_space<vmem>>, %arg4: memref<2048x27xf32, #tpu.memory_space<vmem>>, %arg5: memref<32x64xf32, #tpu.memory_space<vmem>>, %arg6: memref<32x64xf32, #tpu.memory_space<vmem>>, %arg7: memref<27x64xf32, #tpu.memory_space<vmem>>, %arg8: memref<1x64xf32, #tpu.memory_space<vmem>>, %arg9: memref<64x32xf32, #tpu.memory_space<vmem>>, %arg10: memref<1x32xf32, #tpu.memory_space<vmem>>, %arg11: memref<1x32xf32, #tpu.memory_space<vmem>>, %arg12: memref<1x1xf32, #tpu.memory_space<vmem>>, %arg13: memref<2048x1xf32, #tpu.memory_space<vmem>>) attributes {dimension_semantics = [#tpu.dimension_semantics<arbitrary>], iteration_bounds = array<i64: 8>, scalar_prefetch = 0 : i64, scratch_operands = 0 : i64, tpu.core_type = #tpu.core_type<tc>, window_params = [{transform_indices = @transform_0, window_bounds = array<i64: 2048, 128>}, {transform_indices = @transform_1, window_bounds = array<i64: 2048, 128>}, {transform_indices = @transform_2, window_bounds = array<i64: 2048, 2>}, {transform_indices = @transform_3, window_bounds = array<i64: 2048, 27>}, {pipeline_mode = #tpu.pipeline_mode<synchronous>, transform_indices = @transform_4, window_bounds = array<i64: 32, 64>}, {pipeline_mode = #tpu.pipeline_mode<synchronous>, transform_indices = @transform_5, window_bounds = array<i64: 32, 64>}, {pipeline_mode = #tpu.pipeline_mode<synchronous>, transform_indices = @transform_6, window_bounds = array<i64: 27, 64>}, {pipeline_mode = #tpu.pipeline_mode<synchronous>, transform_indices = @transform_7, window_bounds = array<i64: 1, 64>}, {pipeline_mode = #tpu.pipeline_mode<synchronous>, transform_indices = @transform_8, window_bounds = array<i64: 64, 32>}, {pipeline_mode = #tpu.pipeline_mode<synchronous>, transform_indices = @transform_9, window_bounds = array<i64: 1, 32>}, {pipeline_mode = #tpu.pipeline_mode<synchronous>, transform_indices = @transform_10, window_bounds = array<i64: 1, 32>}, {pipeline_mode = #tpu.pipeline_mode<synchronous>, transform_indices = @transform_11, window_bounds = array<i64: 1, 1>}, {transform_indices = @transform_12, window_bounds = array<i64: 2048, 1>}]} {
    %get3A = arith.constant 0 : index
    %get3A_0 = arith.constant 0 : index
    %get3A_1 = vector.load %arg1[%get3A, %get3A_0] : memref<2048x128xf32, #tpu.memory_space<vmem>>, vector<2048x128xf32>
    %get3A_2 = arith.constant 0 : index
    %get3A_3 = arith.constant 0 : index
    %get3A_4 = vector.load %arg3[%get3A_2, %get3A_3] : memref<2048x2xi32, #tpu.memory_space<vmem>>, vector<2048x1xi32>
    %lt3A = arith.constant 2 : i32
    %lt3A_5 = vector.broadcast %lt3A : i32 to vector<2048x1xi32>
    %lt3A_6 = arith.cmpi slt, %get3A_4, %lt3A_5 : vector<2048x1xi32>
    %eq3A = arith.constant 0 : i32
    %eq3A_7 = vector.broadcast %eq3A : i32 to vector<2048x1xi32>
    %eq3A_8 = arith.cmpi eq, %get3A_4, %eq3A_7 : vector<2048x1xi32>
    %slice3A = vector.extract_strided_slice %get3A_1 {offsets = [0, 0], sizes = [2048, 32], strides = [1, 1]} : vector<2048x128xf32> to vector<2048x32xf32>
    %slice3A_9 = vector.extract_strided_slice %get3A_1 {offsets = [0, 32], sizes = [2048, 32], strides = [1, 1]} : vector<2048x128xf32> to vector<2048x32xf32>
    %broadcast_in_dim3A = vector.shape_cast %eq3A_8 : vector<2048x1xi1> to vector<2048x1xi1>
    %broadcast_in_dim3A_10 = vector.broadcast %broadcast_in_dim3A : vector<2048x1xi1> to vector<2048x32xi1>
    %select_n3A = arith.select %broadcast_in_dim3A_10, %slice3A, %slice3A_9 : vector<2048x32xi1>, vector<2048x32xf32>
    %eq3A_11 = arith.constant 2 : i32
    %eq3A_12 = vector.broadcast %eq3A_11 : i32 to vector<2048x1xi32>
    %eq3A_13 = arith.cmpi eq, %get3A_4, %eq3A_12 : vector<2048x1xi32>
    %slice3A_14 = vector.extract_strided_slice %get3A_1 {offsets = [0, 64], sizes = [2048, 32], strides = [1, 1]} : vector<2048x128xf32> to vector<2048x32xf32>
    %slice3A_15 = vector.extract_strided_slice %get3A_1 {offsets = [0, 96], sizes = [2048, 32], strides = [1, 1]} : vector<2048x128xf32> to vector<2048x32xf32>
    %broadcast_in_dim3A_16 = vector.shape_cast %eq3A_13 : vector<2048x1xi1> to vector<2048x1xi1>
    %broadcast_in_dim3A_17 = vector.broadcast %broadcast_in_dim3A_16 : vector<2048x1xi1> to vector<2048x32xi1>
    %select_n3A_18 = arith.select %broadcast_in_dim3A_17, %slice3A_14, %slice3A_15 : vector<2048x32xi1>, vector<2048x32xf32>
    %broadcast_in_dim3A_19 = vector.shape_cast %lt3A_6 : vector<2048x1xi1> to vector<2048x1xi1>
    %broadcast_in_dim3A_20 = vector.broadcast %broadcast_in_dim3A_19 : vector<2048x1xi1> to vector<2048x32xi1>
    %select_n3A_21 = arith.select %broadcast_in_dim3A_20, %select_n3A, %select_n3A_18 : vector<2048x32xi1>, vector<2048x32xf32>
    %get3A_22 = arith.constant 0 : index
    %get3A_23 = arith.constant 0 : index
    %get3A_24 = vector.load %arg2[%get3A_22, %get3A_23] : memref<2048x128xf32, #tpu.memory_space<vmem>>, vector<2048x128xf32>
    %get3A_25 = arith.constant 0 : index
    %get3A_26 = arith.constant 1 : index
    %get3A_27 = vector.load %arg3[%get3A_25, %get3A_26] : memref<2048x2xi32, #tpu.memory_space<vmem>>, vector<2048x1xi32>
    %lt3A_28 = arith.constant 2 : i32
    %lt3A_29 = vector.broadcast %lt3A_28 : i32 to vector<2048x1xi32>
    %lt3A_30 = arith.cmpi slt, %get3A_27, %lt3A_29 : vector<2048x1xi32>
    %eq3A_31 = arith.constant 0 : i32
    %eq3A_32 = vector.broadcast %eq3A_31 : i32 to vector<2048x1xi32>
    %eq3A_33 = arith.cmpi eq, %get3A_27, %eq3A_32 : vector<2048x1xi32>
    %slice3A_34 = vector.extract_strided_slice %get3A_24 {offsets = [0, 0], sizes = [2048, 32], strides = [1, 1]} : vector<2048x128xf32> to vector<2048x32xf32>
    %slice3A_35 = vector.extract_strided_slice %get3A_24 {offsets = [0, 32], sizes = [2048, 32], strides = [1, 1]} : vector<2048x128xf32> to vector<2048x32xf32>
    %broadcast_in_dim3A_36 = vector.shape_cast %eq3A_33 : vector<2048x1xi1> to vector<2048x1xi1>
    %broadcast_in_dim3A_37 = vector.broadcast %broadcast_in_dim3A_36 : vector<2048x1xi1> to vector<2048x32xi1>
    %select_n3A_38 = arith.select %broadcast_in_dim3A_37, %slice3A_34, %slice3A_35 : vector<2048x32xi1>, vector<2048x32xf32>
    %eq3A_39 = arith.constant 2 : i32
    %eq3A_40 = vector.broadcast %eq3A_39 : i32 to vector<2048x1xi32>
    %eq3A_41 = arith.cmpi eq, %get3A_27, %eq3A_40 : vector<2048x1xi32>
    %slice3A_42 = vector.extract_strided_slice %get3A_24 {offsets = [0, 64], sizes = [2048, 32], strides = [1, 1]} : vector<2048x128xf32> to vector<2048x32xf32>
    %slice3A_43 = vector.extract_strided_slice %get3A_24 {offsets = [0, 96], sizes = [2048, 32], strides = [1, 1]} : vector<2048x128xf32> to vector<2048x32xf32>
    %broadcast_in_dim3A_44 = vector.shape_cast %eq3A_41 : vector<2048x1xi1> to vector<2048x1xi1>
    %broadcast_in_dim3A_45 = vector.broadcast %broadcast_in_dim3A_44 : vector<2048x1xi1> to vector<2048x32xi1>
    %select_n3A_46 = arith.select %broadcast_in_dim3A_45, %slice3A_42, %slice3A_43 : vector<2048x32xi1>, vector<2048x32xf32>
    %broadcast_in_dim3A_47 = vector.shape_cast %lt3A_30 : vector<2048x1xi1> to vector<2048x1xi1>
    %broadcast_in_dim3A_48 = vector.broadcast %broadcast_in_dim3A_47 : vector<2048x1xi1> to vector<2048x32xi1>
    %select_n3A_49 = arith.select %broadcast_in_dim3A_48, %select_n3A_38, %select_n3A_46 : vector<2048x32xi1>, vector<2048x32xf32>
    %get3A_50 = arith.constant 0 : index
    %get3A_51 = arith.constant 0 : index
    %get3A_52 = vector.load %arg5[%get3A_50, %get3A_51] : memref<32x64xf32, #tpu.memory_space<vmem>>, vector<32x64xf32>
    %dot_general3A = arith.constant dense<0.000000e+00> : vector<2048x64xf32>
    %dot_general3A_53 = tpu.matmul %select_n3A_21, %get3A_52, %dot_general3A {dimension_numbers = #tpu.dot_dimension_numbers<[1], [0], [0], [1], [0, 0, 1, 1], [], []>, transpose_lhs_hint = false} : vector<2048x32xf32>, vector<32x64xf32>, vector<2048x64xf32> -> vector<2048x64xf32>
    %get3A_54 = arith.constant 0 : index
    %get3A_55 = arith.constant 0 : index
    %get3A_56 = vector.load %arg6[%get3A_54, %get3A_55] : memref<32x64xf32, #tpu.memory_space<vmem>>, vector<32x64xf32>
    %dot_general3A_57 = arith.constant dense<0.000000e+00> : vector<2048x64xf32>
    %dot_general3A_58 = tpu.matmul %select_n3A_49, %get3A_56, %dot_general3A_57 {dimension_numbers = #tpu.dot_dimension_numbers<[1], [0], [0], [1], [0, 0, 1, 1], [], []>, transpose_lhs_hint = false} : vector<2048x32xf32>, vector<32x64xf32>, vector<2048x64xf32> -> vector<2048x64xf32>
    %add3A = arith.addf %dot_general3A_53, %dot_general3A_58 : vector<2048x64xf32>
    %get3A_59 = arith.constant 0 : index
    %get3A_60 = arith.constant 0 : index
    %get3A_61 = vector.load %arg4[%get3A_59, %get3A_60] : memref<2048x27xf32, #tpu.memory_space<vmem>>, vector<2048x27xf32>
    %get3A_62 = arith.constant 0 : index
    %get3A_63 = arith.constant 0 : index
    %get3A_64 = vector.load %arg7[%get3A_62, %get3A_63] : memref<27x64xf32, #tpu.memory_space<vmem>>, vector<27x64xf32>
    %dot_general3A_65 = arith.constant dense<0.000000e+00> : vector<2048x64xf32>
    %dot_general3A_66 = tpu.matmul %get3A_61, %get3A_64, %dot_general3A_65 {dimension_numbers = #tpu.dot_dimension_numbers<[1], [0], [0], [1], [0, 0, 1, 1], [], []>, transpose_lhs_hint = false} : vector<2048x27xf32>, vector<27x64xf32>, vector<2048x64xf32> -> vector<2048x64xf32>
    %add3A_67 = arith.addf %add3A, %dot_general3A_66 : vector<2048x64xf32>
    %get3A_68 = arith.constant 0 : index
    %get3A_69 = arith.constant 0 : index
    %get3A_70 = vector.load %arg8[%get3A_68, %get3A_69] : memref<1x64xf32, #tpu.memory_space<vmem>>, vector<1x64xf32>
    %add3A_71 = vector.broadcast %get3A_70 : vector<1x64xf32> to vector<2048x64xf32>
    %add3A_72 = arith.addf %add3A_67, %add3A_71 : vector<2048x64xf32>
    %max3A = arith.constant 0.000000e+00 : f32
    %max3A_73 = vector.broadcast %max3A : f32 to vector<2048x64xf32>
    %max3A_74 = arith.maximumf %add3A_72, %max3A_73 : vector<2048x64xf32>
    %get3A_75 = arith.constant 0 : index
    %get3A_76 = arith.constant 0 : index
    %get3A_77 = vector.load %arg9[%get3A_75, %get3A_76] : memref<64x32xf32, #tpu.memory_space<vmem>>, vector<64x32xf32>
    %dot_general3A_78 = arith.constant dense<0.000000e+00> : vector<2048x32xf32>
    %dot_general3A_79 = tpu.matmul %max3A_74, %get3A_77, %dot_general3A_78 {dimension_numbers = #tpu.dot_dimension_numbers<[1], [0], [0], [1], [0, 0, 1, 1], [], []>, transpose_lhs_hint = false} : vector<2048x64xf32>, vector<64x32xf32>, vector<2048x32xf32> -> vector<2048x32xf32>
    %get3A_80 = arith.constant 0 : index
    %get3A_81 = arith.constant 0 : index
    %get3A_82 = vector.load %arg10[%get3A_80, %get3A_81] : memref<1x32xf32, #tpu.memory_space<vmem>>, vector<1x32xf32>
    %add3A_83 = vector.broadcast %get3A_82 : vector<1x32xf32> to vector<2048x32xf32>
    %add3A_84 = arith.addf %dot_general3A_79, %add3A_83 : vector<2048x32xf32>
    %max3A_85 = arith.constant 0.000000e+00 : f32
    %max3A_86 = vector.broadcast %max3A_85 : f32 to vector<2048x32xf32>
    %max3A_87 = arith.maximumf %add3A_84, %max3A_86 : vector<2048x32xf32>
    %get3A_88 = arith.constant 0 : index
    %get3A_89 = arith.constant 0 : index
    %get3A_90 = vector.load %arg11[%get3A_88, %get3A_89] : memref<1x32xf32, #tpu.memory_space<vmem>>, vector<1x32xf32>
    %mul3A = vector.broadcast %get3A_90 : vector<1x32xf32> to vector<2048x32xf32>
    %mul3A_91 = arith.mulf %max3A_87, %mul3A : vector<2048x32xf32>
    %reduce_sum3A = arith.constant dense<0.000000e+00> : vector<2048xf32>
    %reduce_sum3A_92 = vector.multi_reduction <add>, %mul3A_91, %reduce_sum3A [1] : vector<2048x32xf32> to vector<2048xf32>
    %broadcast_in_dim3A_93 = vector.shape_cast %reduce_sum3A_92 : vector<2048xf32> to vector<2048x1xf32>
    %get3A_94 = arith.constant 0 : index
    %get3A_95 = arith.constant 0 : index
    %get3A_96 = vector.load %arg12[%get3A_94, %get3A_95] : memref<1x1xf32, #tpu.memory_space<vmem>>, vector<1x1xf32>
    %add3A_97 = vector.broadcast %get3A_96 : vector<1x1xf32> to vector<2048x1xf32>
    %add3A_98 = arith.addf %broadcast_in_dim3A_93, %add3A_97 : vector<2048x1xf32>
    %swap3A = arith.constant 0 : index
    %swap3A_99 = arith.constant 0 : index
    %swap3A_100 = vector.load %arg13[%swap3A, %swap3A_99] : memref<2048x1xf32, #tpu.memory_space<vmem>>, vector<2048x1xf32>
    tpu.vector_store %arg13[%swap3A, %swap3A_99], %add3A_98 {strides = array<i32>} : memref<2048x1xf32, #tpu.memory_space<vmem>>, vector<2048x1xf32>,
    return
  }
  func.func @transform_0(%arg0: i32) -> (i32, i32) {
    %c0_i32 = arith.constant 0 : i32
    %c0_i32_0 = arith.constant 0 : i32
    return %arg0, %c0_i32 : i32, i32
  }
  func.func @transform_1(%arg0: i32) -> (i32, i32) {
    %c0_i32 = arith.constant 0 : i32
    %c0_i32_0 = arith.constant 0 : i32
    return %arg0, %c0_i32 : i32, i32
  }
  func.func @transform_2(%arg0: i32) -> (i32, i32) {
    %c0_i32 = arith.constant 0 : i32
    %c0_i32_0 = arith.constant 0 : i32
    return %arg0, %c0_i32 : i32, i32
  }
  func.func @transform_3(%arg0: i32) -> (i32, i32) {
    %c0_i32 = arith.constant 0 : i32
    %c0_i32_0 = arith.constant 0 : i32
    return %arg0, %c0_i32 : i32, i32
  }
  func.func @transform_4(%arg0: i32) -> (i32, i32) {
    %c0_i32 = arith.constant 0 : i32
    %c0_i32_0 = arith.constant 0 : i32
    %c0_i32_1 = arith.constant 0 : i32
    return %c0_i32, %c0_i32_0 : i32, i32
  }
  func.func @transform_5(%arg0: i32) -> (i32, i32) {
    %c0_i32 = arith.constant 0 : i32
    %c0_i32_0 = arith.constant 0 : i32
    %c0_i32_1 = arith.constant 0 : i32
    return %c0_i32, %c0_i32_0 : i32, i32
  }
  func.func @transform_6(%arg0: i32) -> (i32, i32) {
    %c0_i32 = arith.constant 0 : i32
    %c0_i32_0 = arith.constant 0 : i32
    %c0_i32_1 = arith.constant 0 : i32
    return %c0_i32, %c0_i32_0 : i32, i32
  }
  func.func @transform_7(%arg0: i32) -> (i32, i32) {
    %c0_i32 = arith.constant 0 : i32
    %c0_i32_0 = arith.constant 0 : i32
    %c0_i32_1 = arith.constant 0 : i32
    return %c0_i32, %c0_i32_0 : i32, i32
  }
  func.func @transform_8(%arg0: i32) -> (i32, i32) {
    %c0_i32 = arith.constant 0 : i32
    %c0_i32_0 = arith.constant 0 : i32
    %c0_i32_1 = arith.constant 0 : i32
    return %c0_i32, %c0_i32_0 : i32, i32
  }
  func.func @transform_9(%arg0: i32) -> (i32, i32) {
    %c0_i32 = arith.constant 0 : i32
    %c0_i32_0 = arith.constant 0 : i32
    %c0_i32_1 = arith.constant 0 : i32
    return %c0_i32, %c0_i32_0 : i32, i32
  }
  func.func @transform_10(%arg0: i32) -> (i32, i32) {
    %c0_i32 = arith.constant 0 : i32
    %c0_i32_0 = arith.constant 0 : i32
    %c0_i32_1 = arith.constant 0 : i32
    return %c0_i32, %c0_i32_0 : i32, i32
  }
  func.func @transform_11(%arg0: i32) -> (i32, i32) {
    %c0_i32 = arith.constant 0 : i32
    %c0_i32_0 = arith.constant 0 : i32
    %c0_i32_1 = arith.constant 0 : i32
    return %c0_i32, %c0_i32_0 : i32, i32
  }
  func.func @transform_12(%arg0: i32) -> (i32, i32) {
    %c0_i32 = arith.constant 0 : i32
    %c0_i32_0 = arith.constant 0 : i32
    return %arg0, %c0_i32 : i32, i32
  }
}

</mosaic_0001>

<sc_bundles>
// kernel: kernel.6.cloned.1.call-start
scs
__scs_entry_jumppad:
0x0: {  	(pc) =	sbr.rel $0x88, $3  }
0x1: {  	(tag) =	ssettag $0x0;
	lr =	simm.s32 $0x1  }
0x2: {  	[smem:$0x3F93] =	sst lr;
	_ =	strace $0xD0000000  }
0x3: {  	_ = 	snop  }
0x4: {  	_ = 	snop  }
0x5: {  	_ = 	snop  }
0x6: {  	_ = 	snop  }
0x7: {  	_ = 	snop  }
__scs_overlays_trampoline_lowered:
0x8: {  	[smem:$0x3FA2] =	sst s0  }
0x9: {  	[smem:$0x3FA3] =	sst s1  }
0xa: {  	[smem:$0x3FA4] =	sst s2  }
0xb: {  	[smem:$0x3FA5] =	sst s3  }
0xc: {  	[smem:$0x3FA6] =	sst s4  }
0xd: {  	[smem:$0x3FA7] =	sst s5  }
0xe: {  	[smem:$0x3FA8] =	sst s6  }
0xf: {  	[smem:$0x3FA9] =	sst s7  }
0x10: {  	[smem:$0x3FAA] =	sst s8  }
0x11: {  	[smem:$0x3FAB] =	sst s9;
	s0 =	simm.s32 @!p0 $0x0  }
0x12: {  	s1 =	sld [smem:$0x3F91];
	s0 =	simm.s32 @p0 $0x1  }
0x13: {  	[smem:$0x3FAC] =	sst s0;
	s0 =	simm.s32 @!p1 $0x0  }
0x14: {  	s2 =	sld [smem:$0x3F90];
	s0 =	simm.s32 @p1 $0x1  }
0x15: {  	[smem:$0x3FAD] =	sst s0;
	s0 =	simm.s32 @!p2 $0x0  }
0x16: {  	s3 =	sld [smem:$0x3FDB];
	s0 =	simm.s32 @p2 $0x1  }
0x17: {  	s4 =	simm.s32 $0x1BF5;
	[smem:$0x3FAF] =	sst s0  }
0x18: {  	s0 =	sld [smem:$0x3F92];
	_ =	swait.ge [sflag:s4], $0x0  }
0x19: {  	s7 =	sld [smem:$0x3F93]  }
0x1a: {  	s8 =	sadd.s32 $0xFFFFE003, lr  }
0x1b: {  	s9 =	sadd.s32 $0xFFFFFEF7, lr;
	s5 =	simm.s32 $0xFFFFFFFF;
	p2 =	slt.u32 s8, $0xFFFFF086  }
0x1c: {  	p1 =	slt.u32 s9, $0xF7A;
	s5 =	simm.s32 @!p2 $0x0  }
0x1d: {  	s5 =	simm.s32 @p1 $0x1;
	p0 =	seq.s32 s7, s2  }
0x1e: {  	s7 =	smul.u32 @!p0 $0xF7A, s2;
	p2 =	seq.s32 @!p0 s5, $0x0  }
0x1f: {  	s9 =	smul.u32 $0xF7A, s1;
	s8 =	simm.s32 @!p0 $0x1BF5;
	p2 =	por !p2, p0  }
0x20: {  	[sflag:s8] =	ssyncset.s32 @!p0 $0xFFFFF086;
	s6 =	sadd.s32 @!p0 s3, s7;
	s7 =	simm.s32 @!p0 $0x108  }
0x21: {  	s3 =	sadd.s32 s3, s9;
	s6 =	sadd.s32 @!p0 $0x88, s6;
	s7 =	simm.s32 @p2 $0x1082  }
0x22: {  	[simem:s7], [sflag:s8] =	dma.local @!p0 [hbm:s6], $0xF7A  }
0x23: {  	s9 =	sor.u32 $0xD0000000, s2;
	s6 =	simm.s32 $0x108;
	_ =	swait.ge @!p0 [sflag:s8], $0x0  }
0x24: {  	s3 =	sadd.s32 $0x88, s3;
	s6 =	simm.s32 @!p1 $0x1082;
	[sflag:s4] =	ssyncset.s32 $0xFFFFF086  }
0x25: {  	[simem:s6], [sflag:s4] =	dma.local [hbm:s3], $0xF7A  }
0x26: {  	[smem:$0x3F93] =	sst s1;
	(tag) =	ssettag s2;
	_ =	strace s9  }
0x27: {  	s1 =	sld [smem:$0x3FA3]  }
0x28: {  	s2 =	sld [smem:$0x3FA4]  }
0x29: {  	s4 =	sld [smem:$0x3FA6]  }
0x2a: {  	p0 =	seq.s32 s5, $0x0;
	s5 =	sld [smem:$0x3FA7]  }
0x2b: {  	s6 =	sld [smem:$0x3FA8]  }
0x2c: {  	s7 =	sld [smem:$0x3FA9]  }
0x2d: {  	s3 =	simm.s32 $0x108;
	s8 =	sld [smem:$0x3FAA]  }
0x2e: {  	s3 =	simm.s32 @!p0 $0x1082;
	s9 =	sld [smem:$0x3FAB]  }
0x2f: {  	lr =	sadd.s32 s0, s3;
	s0 =	sld [smem:$0x3FA2]  }
0x30: {  	s3 =	sld [smem:$0x3FA5]  }
0x31: {  	[smem:$0x3FAE] =	sst s10  }
0x32: {  	s10 =	sld [smem:$0x3FAC];
	_ =	sdelay $0x3  }
0x33: {  	p0 =	seq.s32 s10, $0x1;
	s10 =	sld [smem:$0x3FAE];
	_ =	sdelay $0x3  }
0x34: {  	[smem:$0x3FAE] =	sst s10  }
0x35: {  	s10 =	sld [smem:$0x3FAD];
	_ =	sdelay $0x3  }
0x36: {  	p1 =	seq.s32 s10, $0x1;
	s10 =	sld [smem:$0x3FAE];
	_ =	sdelay $0x3  }
0x37: {  	[smem:$0x3FAE] =	sst s10  }
0x38: {  	s10 =	sld [smem:$0x3FAF]  }
0x39: {  	_ = 	snop;
	(pc) =	sbr.ind lr, $3  }
0x3a: {  	_ = 	snop  }
0x3b: {  	_ = 	snop  }
0x3c: {  	p2 =	seq.s32 s10, $0x1;
	s10 =	sld [smem:$0x3FAE]  }
0x3d: {  	_ =	shalt  }
0x3e: {  	_ =	shalt  }
0x3f: {  	_ =	shalt  }
0x40: {  	_ =	shalt  }
0x41: {  	_ =	shalt  }
0x42: {  	_ =	shalt  }
0x43: {  	_ =	shalt  }
0x44: {  	_ =	shalt  }
0x45: {  	_ =	shalt  }
0x46: {  	_ =	shalt  }
0x47: {  	_ =	shalt  }
0x48: {  	_ =	shalt  }
0x49: {  	_ =	shalt  }
0x4a: {  	_ =	shalt  }
0x4b: {  	_ =	shalt  }
0x4c: {  	_ =	shalt  }
0x4d: {  	_ =	shalt  }
0x4e: {  	_ =	shalt  }
0x4f: {  	_ =	shalt  }
0x50: {  	_ =	shalt  }
0x51: {  	_ =	shalt  }
0x52: {  	_ =	shalt  }
0x53: {  	_ =	shalt  }
0x54: {  	_ =	shalt  }
0x55: {  	_ =	shalt  }
0x56: {  	_ =	shalt  }
0x57: {  	_ =	shalt  }
0x58: {  	_ =	shalt  }
0x59: {  	_ =	shalt  }
0x5a: {  	_ =	shalt  }
0x5b: {  	_ =	shalt  }
0x5c: {  	_ =	shalt  }
0x5d: {  	_ =	shalt  }
0x5e: {  	_ =	shalt  }
0x5f: {  	_ =	shalt  }
0x60: {  	_ =	shalt  }
0x61: {  	_ =	shalt  }
0x62: {  	_ =	shalt  }
0x63: {  	_ =	shalt  }
0x64: {  	_ =	shalt  }
0x65: {  	_ =	shalt  }
0x66: {  	_ =	shalt  }
0x67: {  	_ =	shalt  }
0x68: {  	_ =	shalt  }
0x69: {  	_ =	shalt  }
0x6a: {  	_ =	shalt  }
0x6b: {  	_ =	shalt  }
0x6c: {  	_ =	shalt  }
0x6d: {  	_ =	shalt  }
0x6e: {  	_ =	shalt  }
0x6f: {  	_ =	shalt  }
0x70: {  	_ =	shalt  }
0x71: {  	_ =	shalt  }
0x72: {  	_ =	shalt  }
0x73: {  	_ =	shalt  }
0x74: {  	_ =	shalt  }
0x75: {  	_ =	shalt  }
0x76: {  	_ =	shalt  }
0x77: {  	_ =	shalt  }
0x78: {  	_ =	shalt  }
0x79: {  	_ =	shalt  }
0x7a: {  	_ =	shalt  }
0x7b: {  	_ =	shalt  }
0x7c: {  	_ =	shalt  }
0x7d: {  	_ =	shalt  }
0x7e: {  	_ =	shalt  }
0x7f: {  	_ =	shalt  }
0x80: {  	_ =	shalt  }
0x81: {  	_ =	shalt  }
0x82: {  	_ =	shalt  }
0x83: {  	_ =	shalt  }
0x84: {  	_ =	shalt  }
0x85: {  	_ =	shalt  }
0x86: {  	_ =	shalt  }
0x87: {  	_ =	shalt  }
.Lfunc_end0:
.L_simem_size_0:
called_computation_lowered:
.L_overlay_start_0:
0x88: {  	s2 =	sld [smem:$0x3FD9]  }
0x89: {  	s3 =	sld [smem:$0x3FFE];
	_ =	sdelay $0x1  }
0x8a: {  	s1 =	srdreg.scid  }
0x8b: {  	s0 =	sand.u32 $0x1, s1  }
0x8c: {  	s17 =	sshll.u32 s0, $0xA;
	s2 =	sadd.s32 s3, s2  }
0x8d: {  	s2 =	sadd.s32 s2, s17  }
0x8e: {  	[smem:$0x3FBA] =	sst s2  }
0x8f: {  	_ = 	snop  }
0x90: {  	s2 =	sld [smem:$0x3FD0];
	(tm) =	ssettm $0x1  }
0x91: {  	s18 =	sld [smem:$0x3FFB];
	_ =	sdelay $0x3  }
0x92: {  	_ =	strace s18  }
0x93: {  	s3 =	sld [smem:$0x3FFC];
	_ =	sdelay $0x3  }
0x94: {  	_ =	strace s3  }
0x95: {  	s3 =	sld [smem:$0x3FFD];
	_ =	sdelay $0x3  }
0x96: {  	_ =	strace s3  }
0x97: {  	_ =	strace $0x8FFFFFFF  }
0x98: {  	s19 =	sld [smem:$0x3FDB];
	_ =	sdelay $0x1  }
0x99: {  	s4 =	simm.s32 $_scs_section_size  }
0x9a: {  	s5 =	simm.s32 $_size__tile_overlayer_lowered;
	s6 =	simm.s32 $_tile_overlayer_lowered  }
0x9b: {  	s22 =	simm.s32 $0x1BFF;
	s21 =	sshll.u32 s6, $0x1;
	s3 =	sadd.s32 s4, s19  }
0x9c: {  	s7 =	simm.s32 $0x0;
	s20 =	sshll.u32 s5, $0x1;
	s5 =	sadd.s32 s21, s3  }
0x9d: {  	[timem:s7], [sflag:s22] =	dma.local [hbm:s5], s20  }
0x9e: {  	_ =	swait.ge [sflag:s22], s20  }
0x9f: {  	s4 =	ssub.s32 $0x0, s20;
	[sflag:s22] =	ssyncset.done $0x0  }
0xa0: {  	[sflag:s22] =	ssyncadd.s32 s4;
	_ =	sdelay $0x1  }
0xa1: {  	s23 =	simm.s32 $0x1B8B  }
0xa2: {  	_ =	swait.ge [sflag:s23], $0x1  }
0xa3: {  	[sflag:s23] =	ssyncset.done $0x0  }
0xa4: {  	s25 =	simm.s32 $0x1B8E;
	s24 =	sld [smem:$0x3FFE];
	[sflag:s23] =	ssyncadd.s32 $0xFFFFFFFF  }
0xa5: {  	s26 =	simm.s32 $execute0_lowered;
	[smem:$0x3FD2] =	sst s25  }
0xa6: {  	s5 =	sshll.u32 s26, $0x1;
	_ =	strace $0x80000046;
	[dreg:$0x1] =	wrdreg $0xFFFFFFFF  }
0xa7: {  	s28 =	simm.s32 $_size_execute0_lowered;
	s3 =	sadd.s32 s3, s5;
	[dreg:$0x0] =	wrdreg $0x0  }
0xa8: {  	s5 =	sshll.u32 s28, $0x1;
	[dreg:$0x2] =	wrdreg s3  }
0xa9: {  	[dreg:$0x3] =	wrdreg s5  }
0xaa: {  	[dreg:$0x4] =	wrdreg $0xC0  }
0xab: {  	_ =	task [dreg:s7], $0x5FFFF  }
0xac: {  	[dreg:$0x1] =	wrdreg $0xFFFFFFFF  }
0xad: {  	[dreg:$0x0] =	wrdreg $0x60  }
0xae: {  	[dreg:$0x2] =	wrdreg s24  }
0xaf: {  	[dreg:$0x3] =	wrdreg s2  }
0xb0: {  	[dreg:$0x4] =	wrdreg $0x9  }
0xb1: {  	_ =	task.clear_ibuf [dreg:s7], $0x5FFFF;
	_ =	strace $0x90000046  }
0xb2: {  	s29 =	simm.s32 $0x9;
	_ =	strace $0x80000048  }
0xb3: {  	_ =	swait.ge [sflag:s29], $0x1  }
0xb4: {  	[sflag:s29] =	ssyncadd.s32 $0xFFFFFFFF  }
0xb5: {  	_ =	strace $0x90000048  }
0xb6: {  	_ =	sfence  }
0xb7: {  	s30 =	sld [smem:$0x0];
	_ =	sdelay $0x2  }
0xb8: {  	s31 =	sshll.u32 s1, $0xD;
	s1 =	sshrl.u32 s1, $0x2  }
0xb9: {  	s3 =	sand.u32 $0x4000, s31;
	s1 =	sadd.s32 s1, s30  }
0xba: {  	s0 =	sor.u32 s3, s0;
	s1 =	sshll.u32 s1, $0x11  }
0xbb: {  	s0 =	sor.u32 s1, s0  }
0xbc: {  	s0 =	sadd.s32 $0x8F2B, s0  }
0xbd: {  	[sflag:s0] =	ssyncadd.remote.s32 $0x1  }
0xbe: {  	_ =	sfence.sel $0xFFFF  }
0xbf: {  	[dreg:$0x0] =	wrdreg $0xFFFFFFFF;
	(pc) =	sbr.abs _section_cstart, $3  }
0xc0: {  	[dreg:$0x1] =	wrdreg $0xFFFFFFFF  }
0xc1: {  	_ =	task.clear_ibuf [dreg:s7], $0x2FFFF;
	_ =	strace $0x9FFFFFFF  }
0xc2: {  	(tm) =	ssettm $0x7FFFFFFF  }
0xc3: {  	_ =	shalt  }
tec
execute0_lowered:
.L_overlay_start_1:
0x0: {  	(tag) =	ssettag $0x1  }
0x1: {  	s0 =	rddreg [dreg:$0x0]  }
0x2: {  	s1 =	rddreg [dreg:$0x1]  }
0x3: {  	s24 =	rddreg [dreg:$0x2];
	s2 =	simm.s32 $0x0;
	s3 =	srdreg.scid  }
0x4: {  	s8 =	stileid.u32;
	s28 =	simm.s32 $0x7;
	s26 =	simm.s32 $0x200  }
0x5: {  	s11 =	simm.s32 $0xC400;
	s31 =	simm.s32 $0x100;
	s30 =	simm.s32 $0x300  }
0x6: {  	s15 =	simm.s32 $0x1;
	p0 =	por $0x0, $0x0;
	s29 =	simm.s32 $0x380  }
0x7: {  	s16 =	simm.s32 $0x5;
	s14 =	simm.s32 $0x6;
	[smem:$0x7FF] =	sst s2  }
0x8: {  	s3 =	sand.u32 $0x1, s3;
	s4 =	sshll.u32 s8, $0x7;
	s10 =	sadd.s32 $0x462E00, s0  }
0x9: {  	s8 =	sshll.u32 s8, $0xE;
	_ =	strace $0x80000047;
	s5 =	sshll.u32 s3, $0x6  }
0xa: {  	s9 =	sshll.u32 s3, $0xD;
	s3 =	ssub.s32 $0x2, s3;
	s6 =	sor.u32 s5, s4  }
0xb: {  	s4 =	sadd.s32 $0x2600, s0;
	s5 =	sadd.s32 $0x3E2600, s0;
	s17 =	sor.u32 s9, s8  }
0xc: {  	s19 =	sshrl.u32 s3, $0x1;
	s7 =	sadd.s32 s6, s0;
	s0 =	sadd.s32 $0x4A2E00, s0  }
0xd: {  	s1 =	sadd.s32 s1, s6;
	s18 =	sadd.s32 s10, s17;
	s3 =	ssub.s32 s3, s19  }
0xe: {  	s21 =	sor.u32 $0x800, s17;
	s22 =	sor.u32 $0x1000, s17;
	s23 =	sor.u32 $0x1800, s17  }
0xf: {  	s19 =	simm.s32 $0x4400;
	s7 =	sadd.s32 $0x462600, s7;
	[dreg:$0x4] =	wrdreg s1  }
0x10: {  	[dreg:$0x5] =	wrdreg s18;
	s20 =	sadd.s32 s0, s17;
	s12 =	sadd.s32 s10, s21  }
0x11: {  	s13 =	sadd.s32 s0, s21;
	s8 =	sadd.s32 s10, s22;
	s25 =	smax.u32 s3, $0x1  }
0x12: {  	s9 =	sadd.s32 s0, s22;
	s6 =	sadd.s32 s10, s23;
	p1 =	sne.s32 s25, $0x1  }
.Ltmp0:
0x13: {  	s21 =	simm.s32 $0x80;
	s10 =	simm.s32 $0x400;
	(pc) =	sbr.rel @!p1 .LBB2_1-.Ltmp0, $4  }
0x14: {  	s17 =	simm.s32 $0x8400;
	s18 =	simm.s32 $0x14400;
	[dreg:$0x3] =	wrdreg s7  }
0x15: {  	s3 =	simm.s32 $0x4;
	s22 =	simm.s32 $0x3;
	[dreg:$0x6] =	wrdreg s20  }
0x16: {  	s7 =	sadd.s32 s0, s23;
	s20 =	simm.s32 $0x10400;
	s0 =	sadd.s32 $0xFFFFFFFF, s25  }
0x17: {  	s25 =	simm.s32 $0x180;
	s23 =	simm.s32 $0x2;
	s1 =	rddreg [dreg:$0x3]  }
0x18: {  	[tilespmem:s2], [sflag:$0x7] =	stream.linear.gather [hbm4b:s1+s2], $0x200, $0x38;
	[tilespmem:$0x18400] =	vst v63  }
0x19: {  	_ =	swait.ge [sflag:s28], $0x200  }
0x1a: {  	[sflag:s28] =	ssyncset.done $0x0  }
0x1b: {  	s24 =	rddreg [dreg:$0x4];
	[sflag:s28] =	ssyncadd.s32 $0xFFFFFE00  }
0x1c: {  	[tilespmem:s26], [sflag:$0x7] =	stream.linear.gather [hbm4b:s24+s2], $0x200, $0x38;
	[tilespmem:$0x18400] =	vst v63  }
0x1d: {  	_ =	swait.ge [sflag:s28], $0x200  }
0x1e: {  	[sflag:s28] =	ssyncset.done $0x0  }
0x1f: {  	[sflag:s28] =	ssyncadd.s32 $0xFFFFFE00  }
0x20: {  	[tilespmem:s10], [sflag:$0x1] =	stream.indirect.gather [hbm4b:s4+s21], $0x80, s2, s21, $0xb8;
	[tilespmem:$0x18400] =	vst v63  }
0x21: {  	_ = 	snop  }
0x22: {  	[tilespmem:s11], [sflag:$0x1] =	stream.indirect.gather [hbm4b:s5+s21], $0x80, s26, s21, $0xb8;
	[tilespmem:$0x18400] =	vst v63  }
0x23: {  	_ = 	snop  }
0x24: {  	[tilespmem:s19], [sflag:$0x2] =	stream.indirect.gather [hbm4b:s4+s21], $0x80, s21, s21, $0xb8;
	[tilespmem:$0x18400] =	vst v63  }
0x25: {  	s1 =	simm.s32 $0x280  }
0x26: {  	[tilespmem:s20], [sflag:$0x2] =	stream.indirect.gather [hbm4b:s5+s21], $0x80, s1, s21, $0xb8;
	[tilespmem:$0x18400] =	vst v63  }
0x27: {  	_ = 	snop  }
0x28: {  	[tilespmem:s17], [sflag:$0x3] =	stream.indirect.gather [hbm4b:s4+s21], $0x80, s31, s21, $0xb8;
	[tilespmem:$0x18400] =	vst v63  }
0x29: {  	_ = 	snop  }
0x2a: {  	[tilespmem:s18], [sflag:$0x3] =	stream.indirect.gather [hbm4b:s5+s21], $0x80, s30, s21, $0xb8;
	[tilespmem:$0x18400] =	vst v63  }
0x2b: {  	_ =	swait.ge [sflag:s15], $0x4000  }
0x2c: {  	[sflag:s15] =	ssyncset.done $0x0  }
0x2d: {  	[sflag:s15] =	ssyncadd.s32 $0xFFFFC000  }
0x2e: {  	_ =	swait.ge [sflag:s15], $0x4000  }
0x2f: {  	[sflag:s15] =	ssyncset.done $0x0  }
0x30: {  	s1 =	rddreg [dreg:$0x5];
	[sflag:s15] =	ssyncadd.s32 $0xFFFFC000  }
0x31: {  	[hbm4b:s1+s2] =	stream.linear.scatter [tilespmem:s10], [sflag:$0x4], $0x4000, $0x38;
	[tilespmem:$0x18400] =	vst v63  }
0x32: {  	s24 =	smov.u32 s0;
	s0 =	rddreg [dreg:$0x6]  }
0x33: {  	[hbm4b:s0+s2] =	stream.linear.scatter [tilespmem:s11], [sflag:$0x4], $0x4000, $0x38;
	[tilespmem:$0x18400] =	vst v63  }
0x34: {  	_ =	swait.ge [sflag:s3], $0x4000  }
0x35: {  	[sflag:s3] =	ssyncset.done $0x0  }
0x36: {  	[sflag:s3] =	ssyncadd.s32 $0xFFFFC000  }
0x37: {  	_ =	swait.ge [sflag:s3], $0x4000  }
0x38: {  	[sflag:s3] =	ssyncset.done $0x0  }
0x39: {  	[sflag:s3] =	ssyncadd.s32 $0xFFFFC000  }
0x3a: {  	[tilespmem:s10], [sflag:$0x1] =	stream.indirect.gather [hbm4b:s4+s21], $0x80, s25, s21, $0xb8;
	[tilespmem:$0x18400] =	vst v63  }
0x3b: {  	_ = 	snop  }
0x3c: {  	[tilespmem:s11], [sflag:$0x1] =	stream.indirect.gather [hbm4b:s5+s21], $0x80, s29, s21, $0xb8;
	[tilespmem:$0x18400] =	vst v63  }
0x3d: {  	_ =	swait.ge [sflag:s23], $0x4000  }
0x3e: {  	[sflag:s23] =	ssyncset.done $0x0  }
0x3f: {  	[sflag:s23] =	ssyncadd.s32 $0xFFFFC000  }
0x40: {  	_ =	swait.ge [sflag:s23], $0x4000  }
0x41: {  	[sflag:s23] =	ssyncset.done $0x0  }
0x42: {  	[sflag:s23] =	ssyncadd.s32 $0xFFFFC000  }
0x43: {  	[hbm4b:s12+s2] =	stream.linear.scatter [tilespmem:s19], [sflag:$0x5], $0x4000, $0x38;
	[tilespmem:$0x18400] =	vst v63  }
0x44: {  	_ = 	snop  }
0x45: {  	[hbm4b:s13+s2] =	stream.linear.scatter [tilespmem:s20], [sflag:$0x5], $0x4000, $0x38;
	[tilespmem:$0x18400] =	vst v63  }
0x46: {  	_ =	swait.ge [sflag:s22], $0x4000  }
0x47: {  	[sflag:s22] =	ssyncset.done $0x0  }
0x48: {  	[sflag:s22] =	ssyncadd.s32 $0xFFFFC000  }
0x49: {  	_ =	swait.ge [sflag:s22], $0x4000  }
0x4a: {  	[sflag:s22] =	ssyncset.done $0x0  }
0x4b: {  	[sflag:s22] =	ssyncadd.s32 $0xFFFFC000  }
0x4c: {  	[hbm4b:s8+s2] =	stream.linear.scatter [tilespmem:s17], [sflag:$0x6], $0x4000, $0x38;
	[tilespmem:$0x18400] =	vst v63  }
0x4d: {  	_ = 	snop  }
0x4e: {  	[hbm4b:s9+s2] =	stream.linear.scatter [tilespmem:s18], [sflag:$0x6], $0x4000, $0x38;
	[tilespmem:$0x18400] =	vst v63  }
0x4f: {  	_ =	swait.ge [sflag:s15], $0x4000  }
0x50: {  	[sflag:s15] =	ssyncset.done $0x0  }
0x51: {  	[sflag:s15] =	ssyncadd.s32 $0xFFFFC000  }
0x52: {  	_ =	swait.ge [sflag:s15], $0x4000  }
0x53: {  	[sflag:s15] =	ssyncset.done $0x0  }
0x54: {  	[sflag:s15] =	ssyncadd.s32 $0xFFFFC000  }
0x55: {  	[hbm4b:s6+s2] =	stream.linear.scatter [tilespmem:s10], [sflag:$0x4], $0x4000, $0x38;
	[tilespmem:$0x18400] =	vst v63  }
0x56: {  	_ = 	snop  }
0x57: {  	[hbm4b:s7+s2] =	stream.linear.scatter [tilespmem:s11], [sflag:$0x4], $0x4000, $0x38;
	[tilespmem:$0x18400] =	vst v63  }
0x58: {  	_ =	swait.ge [sflag:s16], $0x4000  }
0x59: {  	[sflag:s16] =	ssyncset.done $0x0  }
0x5a: {  	[sflag:s16] =	ssyncadd.s32 $0xFFFFC000  }
0x5b: {  	_ =	swait.ge [sflag:s16], $0x4000  }
0x5c: {  	[sflag:s16] =	ssyncset.done $0x0  }
0x5d: {  	[sflag:s16] =	ssyncadd.s32 $0xFFFFC000  }
0x5e: {  	_ =	swait.ge [sflag:s14], $0x4000  }
0x5f: {  	[sflag:s14] =	ssyncset.done $0x0  }
0x60: {  	[sflag:s14] =	ssyncadd.s32 $0xFFFFC000  }
0x61: {  	_ =	swait.ge [sflag:s14], $0x4000  }
0x62: {  	[sflag:s14] =	ssyncset.done $0x0  }
0x63: {  	p1 =	sne.s32 s24, $0x1;
	[sflag:s14] =	ssyncadd.s32 $0xFFFFC000  }
.Ltmp1:
0x64: {  	_ =	swait.ge [sflag:s3], $0x4000;
	(pc) =	sbr.rel @!p1 .LBB2_3-.Ltmp1, $4  }
0x65: {  	[sflag:s3] =	ssyncset.done $0x0  }
0x66: {  	[sflag:s3] =	ssyncadd.s32 $0xFFFFC000  }
0x67: {  	p0 =	por $0x1, $0x1;
	_ =	swait.ge [sflag:s3], $0x4000  }
0x68: {  	s0 =	sadd.s32 $0xFFFFFFFF, s24;
	s1 =	rddreg [dreg:$0x3];
	[sflag:s3] =	ssyncset.done $0x0  }
.LBB2_4:
0x69: {  	[sflag:s3] =	ssyncadd.s32 $0xFFFFC000  }
0x6a: {  	[tilespmem:s2], [sflag:$0x7] =	stream.linear.gather [hbm4b:s1+s2], $0x200, $0x38;
	[tilespmem:$0x18400] =	vst v63  }
0x6b: {  	_ =	swait.ge [sflag:s28], $0x200  }
0x6c: {  	[sflag:s28] =	ssyncset.done $0x0  }
0x6d: {  	s24 =	rddreg [dreg:$0x4];
	[sflag:s28] =	ssyncadd.s32 $0xFFFFFE00  }
0x6e: {  	[tilespmem:s26], [sflag:$0x7] =	stream.linear.gather [hbm4b:s24+s2], $0x200, $0x38;
	[tilespmem:$0x18400] =	vst v63  }
0x6f: {  	_ =	swait.ge [sflag:s28], $0x200  }
0x70: {  	[sflag:s28] =	ssyncset.done $0x0  }
0x71: {  	[sflag:s28] =	ssyncadd.s32 $0xFFFFFE00  }
0x72: {  	[tilespmem:s10], [sflag:$0x1] =	stream.indirect.gather [hbm4b:s4+s21], $0x80, s2, s21, $0xb8;
	[tilespmem:$0x18400] =	vst v63  }
0x73: {  	_ = 	snop  }
0x74: {  	[tilespmem:s11], [sflag:$0x1] =	stream.indirect.gather [hbm4b:s5+s21], $0x80, s26, s21, $0xb8;
	[tilespmem:$0x18400] =	vst v63  }
0x75: {  	_ = 	snop  }
0x76: {  	[tilespmem:s19], [sflag:$0x2] =	stream.indirect.gather [hbm4b:s4+s21], $0x80, s21, s21, $0xb8;
	[tilespmem:$0x18400] =	vst v63  }
0x77: {  	s24 =	simm.s32 $0x280  }
0x78: {  	[tilespmem:s20], [sflag:$0x2] =	stream.indirect.gather [hbm4b:s5+s21], $0x80, s24, s21, $0xb8;
	[tilespmem:$0x18400] =	vst v63  }
0x79: {  	_ = 	snop  }
0x7a: {  	[tilespmem:s17], [sflag:$0x3] =	stream.indirect.gather [hbm4b:s4+s21], $0x80, s31, s21, $0xb8;
	[tilespmem:$0x18400] =	vst v63  }
0x7b: {  	_ = 	snop  }
0x7c: {  	[tilespmem:s18], [sflag:$0x3] =	stream.indirect.gather [hbm4b:s5+s21], $0x80, s30, s21, $0xb8;
	[tilespmem:$0x18400] =	vst v63  }
0x7d: {  	_ =	swait.ge [sflag:s15], $0x4000  }
0x7e: {  	[sflag:s15] =	ssyncset.done $0x0  }
0x7f: {  	[sflag:s15] =	ssyncadd.s32 $0xFFFFC000  }
0x80: {  	_ =	swait.ge [sflag:s15], $0x4000  }
0x81: {  	[sflag:s15] =	ssyncset.done $0x0  }
0x82: {  	s1 =	rddreg [dreg:$0x5];
	[sflag:s15] =	ssyncadd.s32 $0xFFFFC000  }
0x83: {  	[hbm4b:s1+s2] =	stream.linear.scatter [tilespmem:s10], [sflag:$0x4], $0x4000, $0x38;
	[tilespmem:$0x18400] =	vst v63  }
0x84: {  	s24 =	rddreg [dreg:$0x6]  }
0x85: {  	[hbm4b:s24+s2] =	stream.linear.scatter [tilespmem:s11], [sflag:$0x4], $0x4000, $0x38;
	[tilespmem:$0x18400] =	vst v63  }
0x86: {  	_ =	swait.ge [sflag:s3], $0x4000  }
0x87: {  	[sflag:s3] =	ssyncset.done $0x0  }
0x88: {  	[sflag:s3] =	ssyncadd.s32 $0xFFFFC000  }
0x89: {  	_ =	swait.ge [sflag:s3], $0x4000  }
0x8a: {  	[sflag:s3] =	ssyncset.done $0x0  }
0x8b: {  	[sflag:s3] =	ssyncadd.s32 $0xFFFFC000  }
0x8c: {  	[tilespmem:s10], [sflag:$0x1] =	stream.indirect.gather [hbm4b:s4+s21], $0x80, s25, s21, $0xb8;
	[tilespmem:$0x18400] =	vst v63  }
0x8d: {  	_ = 	snop  }
0x8e: {  	[tilespmem:s11], [sflag:$0x1] =	stream.indirect.gather [hbm4b:s5+s21], $0x80, s29, s21, $0xb8;
	[tilespmem:$0x18400] =	vst v63  }
0x8f: {  	_ =	swait.ge [sflag:s23], $0x4000  }
0x90: {  	[sflag:s23] =	ssyncset.done $0x0  }
0x91: {  	[sflag:s23] =	ssyncadd.s32 $0xFFFFC000  }
0x92: {  	_ =	swait.ge [sflag:s23], $0x4000  }
0x93: {  	[sflag:s23] =	ssyncset.done $0x0  }
0x94: {  	[sflag:s23] =	ssyncadd.s32 $0xFFFFC000  }
0x95: {  	[hbm4b:s12+s2] =	stream.linear.scatter [tilespmem:s19], [sflag:$0x5], $0x4000, $0x38;
	[tilespmem:$0x18400] =	vst v63  }
0x96: {  	_ = 	snop  }
0x97: {  	[hbm4b:s13+s2] =	stream.linear.scatter [tilespmem:s20], [sflag:$0x5], $0x4000, $0x38;
	[tilespmem:$0x18400] =	vst v63  }
0x98: {  	_ =	swait.ge [sflag:s22], $0x4000  }
0x99: {  	[sflag:s22] =	ssyncset.done $0x0  }
0x9a: {  	[sflag:s22] =	ssyncadd.s32 $0xFFFFC000  }
0x9b: {  	_ =	swait.ge [sflag:s22], $0x4000  }
0x9c: {  	[sflag:s22] =	ssyncset.done $0x0  }
0x9d: {  	[sflag:s22] =	ssyncadd.s32 $0xFFFFC000  }
0x9e: {  	[hbm4b:s8+s2] =	stream.linear.scatter [tilespmem:s17], [sflag:$0x6], $0x4000, $0x38;
	[tilespmem:$0x18400] =	vst v63  }
0x9f: {  	_ = 	snop  }
0xa0: {  	[hbm4b:s9+s2] =	stream.linear.scatter [tilespmem:s18], [sflag:$0x6], $0x4000, $0x38;
	[tilespmem:$0x18400] =	vst v63  }
0xa1: {  	_ =	swait.ge [sflag:s15], $0x4000  }
0xa2: {  	[sflag:s15] =	ssyncset.done $0x0  }
0xa3: {  	[sflag:s15] =	ssyncadd.s32 $0xFFFFC000  }
0xa4: {  	_ =	swait.ge [sflag:s15], $0x4000  }
0xa5: {  	[sflag:s15] =	ssyncset.done $0x0  }
0xa6: {  	[sflag:s15] =	ssyncadd.s32 $0xFFFFC000  }
0xa7: {  	[hbm4b:s6+s2] =	stream.linear.scatter [tilespmem:s10], [sflag:$0x4], $0x4000, $0x38;
	[tilespmem:$0x18400] =	vst v63  }
0xa8: {  	_ = 	snop  }
0xa9: {  	[hbm4b:s7+s2] =	stream.linear.scatter [tilespmem:s11], [sflag:$0x4], $0x4000, $0x38;
	[tilespmem:$0x18400] =	vst v63  }
0xaa: {  	_ =	swait.ge [sflag:s16], $0x4000  }
0xab: {  	[sflag:s16] =	ssyncset.done $0x0  }
0xac: {  	[sflag:s16] =	ssyncadd.s32 $0xFFFFC000  }
0xad: {  	_ =	swait.ge [sflag:s16], $0x4000  }
0xae: {  	[sflag:s16] =	ssyncset.done $0x0  }
0xaf: {  	[sflag:s16] =	ssyncadd.s32 $0xFFFFC000  }
0xb0: {  	_ =	swait.ge [sflag:s14], $0x4000  }
0xb1: {  	[sflag:s14] =	ssyncset.done $0x0  }
0xb2: {  	[sflag:s14] =	ssyncadd.s32 $0xFFFFC000  }
0xb3: {  	_ =	swait.ge [sflag:s14], $0x4000  }
0xb4: {  	[sflag:s14] =	ssyncset.done $0x0  }
0xb5: {  	p1 =	sne.s32 s0, $0x1;
	[sflag:s14] =	ssyncadd.s32 $0xFFFFC000  }
.Ltmp2:
0xb6: {  	_ =	swait.ge [sflag:s3], $0x4000;
	(pc) =	sbr.rel @p1 .LBB2_4-.Ltmp2, $4  }
0xb7: {  	[sflag:s3] =	ssyncset.done $0x0  }
0xb8: {  	[sflag:s3] =	ssyncadd.s32 $0xFFFFC000  }
0xb9: {  	_ =	swait.ge [sflag:s3], $0x4000  }
0xba: {  	s0 =	sadd.s32 $0xFFFFFFFF, s0;
	s1 =	rddreg [dreg:$0x3];
	[sflag:s3] =	ssyncset.done $0x0  }
0xbb: {  	s29 =	simm.s32 $0x300;
	s31 =	simm.s32 $0x100  }
0xbc: {  	s30 =	simm.s32 $0x280;
	s25 =	simm.s32 $0x180;
	s24 =	rddreg [dreg:$0x2]  }
.LBB2_6:
0xbd: {  	[sflag:s3] =	ssyncadd.s32 @p0 $0xFFFFC000  }
0xbe: {  	[tilespmem:s2], [sflag:$0x7] =	stream.linear.gather [hbm4b:s1+s2], $0x200, $0x38;
	[tilespmem:$0x18400] =	vst v63  }
0xbf: {  	_ =	swait.ge [sflag:s28], $0x200  }
0xc0: {  	[sflag:s28] =	ssyncset.done $0x0  }
0xc1: {  	s0 =	rddreg [dreg:$0x4];
	[sflag:s28] =	ssyncadd.s32 $0xFFFFFE00  }
0xc2: {  	[tilespmem:s26], [sflag:$0x7] =	stream.linear.gather [hbm4b:s0+s2], $0x200, $0x38;
	[tilespmem:$0x18400] =	vst v63  }
0xc3: {  	_ =	swait.ge [sflag:s28], $0x200  }
0xc4: {  	[sflag:s28] =	ssyncset.done $0x0  }
0xc5: {  	[sflag:s28] =	ssyncadd.s32 $0xFFFFFE00  }
0xc6: {  	[tilespmem:s10], [sflag:$0x1] =	stream.indirect.gather [hbm4b:s4+s21], $0x80, s2, s21, $0xb8;
	[tilespmem:$0x18400] =	vst v63  }
0xc7: {  	_ = 	snop  }
0xc8: {  	[tilespmem:s11], [sflag:$0x1] =	stream.indirect.gather [hbm4b:s5+s21], $0x80, s26, s21, $0xb8;
	[tilespmem:$0x18400] =	vst v63  }
0xc9: {  	_ = 	snop  }
0xca: {  	[tilespmem:s19], [sflag:$0x2] =	stream.indirect.gather [hbm4b:s4+s21], $0x80, s21, s21, $0xb8;
	[tilespmem:$0x18400] =	vst v63  }
0xcb: {  	_ = 	snop  }
0xcc: {  	[tilespmem:s20], [sflag:$0x2] =	stream.indirect.gather [hbm4b:s5+s21], $0x80, s30, s21, $0xb8;
	[tilespmem:$0x18400] =	vst v63  }
0xcd: {  	_ = 	snop  }
0xce: {  	[tilespmem:s17], [sflag:$0x3] =	stream.indirect.gather [hbm4b:s4+s21], $0x80, s31, s21, $0xb8;
	[tilespmem:$0x18400] =	vst v63  }
0xcf: {  	_ = 	snop  }
0xd0: {  	[tilespmem:s18], [sflag:$0x3] =	stream.indirect.gather [hbm4b:s5+s21], $0x80, s29, s21, $0xb8;
	[tilespmem:$0x18400] =	vst v63  }
0xd1: {  	_ =	swait.ge [sflag:s15], $0x4000  }
0xd2: {  	[sflag:s15] =	ssyncset.done $0x0  }
0xd3: {  	[sflag:s15] =	ssyncadd.s32 $0xFFFFC000  }
0xd4: {  	_ =	swait.ge [sflag:s15], $0x4000  }
0xd5: {  	[sflag:s15] =	ssyncset.done $0x0  }
0xd6: {  	s28 =	rddreg [dreg:$0x5];
	[sflag:s15] =	ssyncadd.s32 $0xFFFFC000  }
0xd7: {  	[hbm4b:s28+s2] =	stream.linear.scatter [tilespmem:s10], [sflag:$0x4], $0x4000, $0x38;
	[tilespmem:$0x18400] =	vst v63  }
0xd8: {  	s29 =	rddreg [dreg:$0x6]  }
0xd9: {  	[hbm4b:s29+s2] =	stream.linear.scatter [tilespmem:s11], [sflag:$0x4], $0x4000, $0x38;
	[tilespmem:$0x18400] =	vst v63  }
0xda: {  	_ =	swait.ge [sflag:s3], $0x4000  }
0xdb: {  	[sflag:s3] =	ssyncset.done $0x0  }
0xdc: {  	[sflag:s3] =	ssyncadd.s32 $0xFFFFC000  }
0xdd: {  	_ =	swait.ge [sflag:s3], $0x4000  }
0xde: {  	[sflag:s3] =	ssyncset.done $0x0  }
0xdf: {  	[sflag:s3] =	ssyncadd.s32 $0xFFFFC000  }
0xe0: {  	[tilespmem:s10], [sflag:$0x1] =	stream.indirect.gather [hbm4b:s4+s21], $0x80, s25, s21, $0xb8;
	[tilespmem:$0x18400] =	vst v63  }
0xe1: {  	s30 =	simm.s32 $0x380  }
0xe2: {  	[tilespmem:s11], [sflag:$0x1] =	stream.indirect.gather [hbm4b:s5+s21], $0x80, s30, s21, $0xb8;
	[tilespmem:$0x18400] =	vst v63  }
0xe3: {  	_ =	swait.ge [sflag:s23], $0x4000  }
0xe4: {  	[sflag:s23] =	ssyncset.done $0x0  }
0xe5: {  	[sflag:s23] =	ssyncadd.s32 $0xFFFFC000  }
0xe6: {  	_ =	swait.ge [sflag:s23], $0x4000  }
0xe7: {  	[sflag:s23] =	ssyncset.done $0x0  }
0xe8: {  	[sflag:s23] =	ssyncadd.s32 $0xFFFFC000  }
0xe9: {  	[hbm4b:s12+s2] =	stream.linear.scatter [tilespmem:s19], [sflag:$0x5], $0x4000, $0x38;
	[tilespmem:$0x18400] =	vst v63  }
0xea: {  	_ = 	snop  }
0xeb: {  	[hbm4b:s13+s2] =	stream.linear.scatter [tilespmem:s20], [sflag:$0x5], $0x4000, $0x38;
	[tilespmem:$0x18400] =	vst v63  }
0xec: {  	_ =	swait.ge [sflag:s22], $0x4000  }
0xed: {  	[sflag:s22] =	ssyncset.done $0x0  }
0xee: {  	[sflag:s22] =	ssyncadd.s32 $0xFFFFC000  }
0xef: {  	_ =	swait.ge [sflag:s22], $0x4000  }
0xf0: {  	[sflag:s22] =	ssyncset.done $0x0  }
0xf1: {  	[sflag:s22] =	ssyncadd.s32 $0xFFFFC000  }
0xf2: {  	[hbm4b:s8+s2] =	stream.linear.scatter [tilespmem:s17], [sflag:$0x6], $0x4000, $0x38;
	[tilespmem:$0x18400] =	vst v63  }
0xf3: {  	_ = 	snop  }
0xf4: {  	[hbm4b:s9+s2] =	stream.linear.scatter [tilespmem:s18], [sflag:$0x6], $0x4000, $0x38;
	[tilespmem:$0x18400] =	vst v63  }
0xf5: {  	_ =	swait.ge [sflag:s15], $0x4000  }
0xf6: {  	[sflag:s15] =	ssyncset.done $0x0  }
0xf7: {  	[sflag:s15] =	ssyncadd.s32 $0xFFFFC000  }
0xf8: {  	_ =	swait.ge [sflag:s15], $0x4000  }
0xf9: {  	[sflag:s15] =	ssyncset.done $0x0  }
0xfa: {  	[sflag:s15] =	ssyncadd.s32 $0xFFFFC000  }
0xfb: {  	[hbm4b:s6+s2] =	stream.linear.scatter [tilespmem:s10], [sflag:$0x4], $0x4000, $0x38;
	[tilespmem:$0x18400] =	vst v63  }
0xfc: {  	_ = 	snop  }
0xfd: {  	[hbm4b:s7+s2] =	stream.linear.scatter [tilespmem:s11], [sflag:$0x4], $0x4000, $0x38;
	[tilespmem:$0x18400] =	vst v63  }
0xfe: {  	_ =	swait.ge [sflag:s16], $0x4000  }
0xff: {  	[sflag:s16] =	ssyncset.done $0x0  }
0x100: {  	[sflag:s16] =	ssyncadd.s32 $0xFFFFC000  }
0x101: {  	_ =	swait.ge [sflag:s16], $0x4000  }
0x102: {  	[sflag:s16] =	ssyncset.done $0x0  }
0x103: {  	[sflag:s16] =	ssyncadd.s32 $0xFFFFC000  }
0x104: {  	_ =	swait.ge [sflag:s14], $0x4000  }
0x105: {  	[sflag:s14] =	ssyncset.done $0x0  }
0x106: {  	[sflag:s14] =	ssyncadd.s32 $0xFFFFC000  }
0x107: {  	_ =	swait.ge [sflag:s14], $0x4000  }
0x108: {  	[sflag:s14] =	ssyncset.done $0x0  }
0x109: {  	[sflag:s14] =	ssyncadd.s32 $0xFFFFC000  }
0x10a: {  	_ =	swait.ge [sflag:s3], $0x4000  }
0x10b: {  	[sflag:s3] =	ssyncset.done $0x0  }
0x10c: {  	[sflag:s3] =	ssyncadd.s32 $0xFFFFC000  }
0x10d: {  	_ =	swait.ge [sflag:s3], $0x4000  }
0x10e: {  	[sflag:s3] =	ssyncset.done $0x0  }
0x10f: {  	[sflag:s3] =	ssyncadd.s32 $0xFFFFC000  }
0x110: {  	_ =	sfence.sel $0x180000  }
0x111: {  	s31 =	stileid.u32;
	[bflag:$0x0] =	sbarrier.arrive $0xFFFF  }
0x112: {  	p0 =	sne.s32 s31, $0x0;
	_ =	strace $0x90000047  }
0x113: {  	s0 =	sadd.s32 @!p0 $0x100000, s24;
	[bflag:$0x2] =	sbarrier.arrive $0xFFFF  }
0x114: {  	[sflag:s0] =	ssyncadd.tile.s32 @!p0 $0x1;
	_ =	shalt  }
.LBB2_1:
.Ltmp3:
0x115: {  	(pc) =	sbr.rel .LBB2_6-.Ltmp3, $3  }
0x116: {  	_ =	sdelay $0x1  }
0x117: {  	s29 =	simm.s32 $0x300  }
0x118: {  	s31 =	simm.s32 $0x100;
	s30 =	simm.s32 $0x280;
	s25 =	simm.s32 $0x180  }
.LBB2_3:
.Ltmp4:
0x119: {  	(pc) =	sbr.rel .LBB2_6-.Ltmp4, $3  }
0x11a: {  	_ =	sdelay $0x1  }
0x11b: {  	s29 =	simm.s32 $0x300;
	s31 =	simm.s32 $0x100  }
0x11c: {  	s30 =	simm.s32 $0x280;
	s25 =	simm.s32 $0x180;
	s24 =	rddreg [dreg:$0x2]  }
.Lfunc_end2:
_tile_overlayer_lowered:
.L_overlay_start_2:
0x11d: {  	(tag) =	ssettag $0x2  }
0x11e: {  	s0 =	rddreg [dreg:$0x0];
	s2 =	stileid.u32  }
0x11f: {  	s1 =	rddreg [dreg:$0x1];
	p0 =	sne.s32 s2, $0x0  }
0x120: {  	s3 =	rddreg [dreg:$0x2];
	[bflag:$0x3] =	sbarrier.arrive $0xFFFF;
	s2 =	simm.s32 @!p0 $0x1C07  }
0x121: {  	[timem:s3], [sflag:s2] =	dma.local @!p0 [hbm:s0], s1  }
0x122: {  	s0 =	simm.s32 @!p0 $0x7  }
0x123: {  	_ =	swait.ge @!p0 [sflag:s0], s1  }
0x124: {  	s1 =	ssub.s32 @!p0 $0x0, s1;
	[sflag:s0] =	ssyncset.done @!p0 $0x0  }
0x125: {  	[sflag:s0] =	ssyncadd.s32 @!p0 s1  }
0x126: {  	[bflag:$0x3] =	sbarrier.arrive $0xFFFF  }
0x127: {  	_ =	shalt  }

</sc_bundles>
